<compile_context>
chip_gen: v7x
topology: tpu7x:2x2x1
jax: 0.10.2.dev20260603
libtpu: 0.0.44.dev20260713+nightly
codegen_flags: <defaults>
</compile_context>

<pallas_src>
import jax
import jax.numpy as jnp
from jax import lax
from jax.experimental import pallas as pl
from jax.experimental.pallas import tpu as pltpu
from jax.experimental.pallas import tpu_sc as plsc

N_NODES = 10000
N_EDGES = 160000
NC = 2
NS = 16
NW = NC * NS
LANES = 16
PER_E = N_EDGES // NW
E_BUF = 5120
UNROLL = 4
ACC_PAD = 10240


def _tc_prep_body(nf_ref, vr_ref, vi_ref):
    nf = nf_ref[...]
    rows = lax.broadcasted_iota(jnp.int32, (8, 128), 0)
    cols = lax.broadcasted_iota(jnp.int32, (8, 128), 1)
    eye = (rows == cols).astype(jnp.float32)
    vv = lax.dot_general(eye, nf, (((1,), (1,)), ((), ())),
                         preferred_element_type=jnp.float32)
    vr_ref[...] = vv[0]
    vi_ref[...] = vv[1]


def _tc_prep(nf):
    return pl.pallas_call(
        _tc_prep_body,
        out_shape=(jax.ShapeDtypeStruct((N_NODES,), jnp.float32),
                   jax.ShapeDtypeStruct((N_NODES,), jnp.float32)),
    )(nf)


def _sc_body(vr_hbm, vi_hbm, ei_hbm, p_hbm, r_hbm, x_hbm,
             out_hbm,
             vr_v, vi_v, ei_v, p_v, r_v, x_v, acc_v, sem):
    cid = lax.axis_index("c")
    sid = lax.axis_index("s")
    wid = sid * NC + cid
    base = wid * PER_E
    ofs = pl.multiple_of(base & 127, 8)
    start_al = pl.multiple_of(base - ofs, 128)

    zf = jnp.zeros((LANES,), jnp.float32)

    copies = [
        pltpu.async_copy(vr_hbm, vr_v, sem),
        pltpu.async_copy(vi_hbm, vi_v, sem),
        pltpu.async_copy(ei_hbm.at[:, pl.ds(start_al, E_BUF)], ei_v, sem),
        pltpu.async_copy(p_hbm.at[pl.ds(base, PER_E)],
                         p_v.at[pl.ds(ofs, PER_E)], sem),
        pltpu.async_copy(r_hbm.at[pl.ds(base, PER_E)],
                         r_v.at[pl.ds(ofs, PER_E)], sem),
        pltpu.async_copy(x_hbm.at[pl.ds(base, PER_E)],
                         x_v.at[pl.ds(ofs, PER_E)], sem),
    ]

    @plsc.parallel_loop(0, ACC_PAD // LANES, 1, unroll=4)
    def _(i):
        acc_v[pl.ds(i * LANES, LANES)] = zf

    for c in copies:
        c.wait()

    i16 = lax.iota(jnp.int32, LANES)
    zi = jnp.zeros((LANES,), jnp.int32)
    for row in range(2):
        for k in range(8):
            off = k * LANES
            v = ei_v[row, pl.ds(off, LANES)]
            ei_v[row, pl.ds(off, LANES)] = jnp.where(
                i16 + off < ofs, zi, v)
        for k in range(8):
            off = E_BUF - 8 * LANES + k * LANES
            v = ei_v[row, pl.ds(off, LANES)]
            ei_v[row, pl.ds(off, LANES)] = jnp.where(
                i16 + off >= ofs + jnp.int32(PER_E), zi, v)

    def do_vec(off):
        s = ei_v[0, pl.ds(off, LANES)]
        d = ei_v[1, pl.ds(off, LANES)]
        vr_s = plsc.load_gather(vr_v, [s])
        vi_s = plsc.load_gather(vi_v, [s])
        vr_d = plsc.load_gather(vr_v, [d])
        vi_d = plsc.load_gather(vi_v, [d])
        rr = r_v[pl.ds(off, LANES)] + jnp.float32(1e-6)
        xx = x_v[pl.ds(off, LANES)]
        dr = vr_s - vr_d
        di = vi_s - vi_d
        a = dr * dr + di * di
        b = rr * rr + xx * xx
        q = a / b
        ib = plsc.bitcast(q, jnp.int32)
        y = plsc.bitcast(jnp.int32(0x5F3759DF) - (ib >> 1), jnp.float32)
        half_q = jnp.float32(0.5) * q
        for _ in range(3):
            y = y * (jnp.float32(1.5) - half_q * y * y)
        w = p_v[pl.ds(off, LANES)] * q * y
        w = jnp.where(a > jnp.float32(0.0), w, jnp.float32(0.0))
        plsc.addupdate_scatter(acc_v, [s], -w)
        plsc.addupdate_scatter(acc_v, [d], w)

    @plsc.parallel_loop(0, E_BUF // LANES, 1, unroll=UNROLL)
    def _(i):
        do_vec(i * LANES)

    pltpu.sync_copy(acc_v, out_hbm.at[wid])


@jax.jit
def _sc_scatter(vr, vi, ei, p, r, x):
    mesh = plsc.VectorSubcoreMesh(
        core_axis_name="c", subcore_axis_name="s",
        num_cores=NC, num_subcores=NS)
    return pl.kernel(
        _sc_body,
        out_type=jax.ShapeDtypeStruct((NW, ACC_PAD), jnp.float32),
        mesh=mesh,
        compiler_params=pltpu.CompilerParams(needs_layout_passes=False),
        scratch_types=[
            pltpu.VMEM((N_NODES,), jnp.float32),
            pltpu.VMEM((N_NODES,), jnp.float32),
            pltpu.VMEM((2, E_BUF), jnp.int32),
            pltpu.VMEM((E_BUF,), jnp.float32),
            pltpu.VMEM((E_BUF,), jnp.float32),
            pltpu.VMEM((E_BUF,), jnp.float32),
            pltpu.VMEM((ACC_PAD,), jnp.float32),
            pltpu.SemaphoreType.DMA,
        ],
    )(vr, vi, ei, p, r, x)


def _tc_finish_body(part_ref, out_ref):
    part = part_ref[...]
    ones = jnp.ones((8, NW), jnp.float32)
    sums = lax.dot_general(ones, part, (((1,), (0,)), ((), ())),
                           preferred_element_type=jnp.float32)[0]
    total = jnp.sum(sums * sums)
    out_ref[...] = jnp.reshape(total / jnp.float32(N_NODES), (1, 1))


def _tc_finish(partials):
    return pl.pallas_call(
        _tc_finish_body,
        out_shape=jax.ShapeDtypeStruct((1, 1), jnp.float32),
    )(partials)


def kernel(node_features, edge_index, edge_probs, edge_params):
    vr, vi = _tc_prep(node_features)
    partials = _sc_scatter(vr, vi, edge_index.astype(jnp.int32),
                           edge_probs, edge_params[:, 0], edge_params[:, 1])
    return _tc_finish(partials)[0, 0]

# --- scband reference (transcript-rebuilt; emitter-appended) ---
"""Pipeline reference for scband-kirchhoff-current-law-38010460570136 (READ-ONLY COPY).

The authoritative reference and input builder live on the scoring server;
editing this copy changes nothing except your own understanding.
"""

import jax, jax.numpy as jnp
import numpy as np

N_NODES = 10000
N_EDGES = 160000
D_FEAT = 128

def setup_inputs(seed: int = 0) -> dict:
    key = jax.random.key(seed)
    k1, k2, k3, k4 = jax.random.split(key, 4)
    node_features = jax.random.normal(k1, (N_NODES, D_FEAT), dtype=jnp.float32)
    edge_index = jax.random.randint(k2, (2, N_EDGES), 0, N_NODES, dtype=jnp.int64)
    edge_probs = jax.random.uniform(k3, (N_EDGES,), dtype=jnp.float32)
    edge_params = jax.random.uniform(k4, (N_EDGES, 2), dtype=jnp.float32)
    return {
        "node_features": node_features,
        "edge_index": edge_index,
        "edge_probs": edge_probs,
        "edge_params": edge_params,
    }

def reference(node_features, edge_index, edge_probs, edge_params):
    # Vectorized, faithful translation of KirchhoffCurrentLaw.forward.
    # Per-edge current: |(V_from - V_to) / (Z + 1e-6)| where V, Z are complex
    # built from channels (0,1) of node_features and columns (R, X) of edge_params.
    n_nodes = node_features.shape[0]
    src = edge_index[0]
    dst = edge_index[1]
    v_from = node_features[src, 0] + 1j * node_features[src, 1]
    v_to = node_features[dst, 0] + 1j * node_features[dst, 1]
    impedance = edge_params[:, 0] + 1j * edge_params[:, 1]
    current = jnp.abs((v_from - v_to) / (impedance + 1e-06))
    weighted = current * edge_probs
    # KCL node balance: outgoing (src) currents subtract, incoming (dst) add.
    current_sum = jnp.zeros((n_nodes,), dtype=node_features.dtype)
    current_sum = current_sum.at[src].add(-weighted)
    current_sum = current_sum.at[dst].add(weighted)
    return jnp.mean(current_sum ** 2)

if False:  # reference __main__ guard neutralized (emitter)
    out = reference(**setup_inputs())
    print(out)

if __name__ == "__main__":
    import jax
    _d = setup_inputs()
    print(jax.jit(kernel)(*tuple(_d.values())))

</pallas_src>

<mosaic_0001>
#map = affine_map<(d0, d1) -> (0)>
#map1 = affine_map<(d0, d1) -> (0, 0)>
module attributes {stable_mosaic.version = 14 : i64} {
  func.func @_sc_body(%arg0: i32, %arg1: i32, %arg2: memref<10000xf32, #tpu.memory_space<hbm>>, %arg3: memref<10000xf32, #tpu.memory_space<hbm>>, %arg4: memref<2x160000xi32, #tpu.memory_space<hbm>>, %arg5: memref<160000xf32, #tpu.memory_space<hbm>>, %arg6: memref<160000xf32, #tpu.memory_space<hbm>>, %arg7: memref<160000xf32, #tpu.memory_space<hbm>>, %arg8: memref<32x10240xf32, #tpu.memory_space<hbm>>, %arg9: memref<10000xf32, #tpu.memory_space<vmem>>, %arg10: memref<10000xf32, #tpu.memory_space<vmem>>, %arg11: memref<2x5120xi32, #tpu.memory_space<vmem>>, %arg12: memref<5120xf32, #tpu.memory_space<vmem>>, %arg13: memref<5120xf32, #tpu.memory_space<vmem>>, %arg14: memref<5120xf32, #tpu.memory_space<vmem>>, %arg15: memref<10240xf32, #tpu.memory_space<vmem>>, %arg16: memref<!tpu.dma_semaphore, #tpu.memory_space<semaphore_mem>>) attributes {dimension_semantics = [#tpu.dimension_semantics<core_parallel>, #tpu.dimension_semantics<subcore_parallel>], iteration_bounds = array<i64: 2, 16>, scalar_prefetch = 0 : i64, scratch_operands = 8 : i64, tpu.core_type = #tpu.core_type<sc_vector_subcore>, window_params = [{transform_indices = #map}, {transform_indices = #map}, {transform_indices = #map1}, {transform_indices = #map}, {transform_indices = #map}, {transform_indices = #map}, {transform_indices = #map1}]} {
    %mul3A = arith.constant 2 : i32
    %mul3A_0 = arith.muli %arg1, %mul3A : i32
    %add3A = arith.addi %mul3A_0, %arg0 : i32
    %mul3A_1 = arith.constant 5000 : i32
    %mul3A_2 = arith.muli %add3A, %mul3A_1 : i32
    %and3A = arith.constant 127 : i32
    %and3A_3 = arith.andi %mul3A_2, %and3A : i32
    %multiple_of3A = tpu.assume_multiple %and3A_3, 8 : i32
    %sub3A = arith.subi %mul3A_2, %multiple_of3A : i32
    %multiple_of3A_4 = tpu.assume_multiple %sub3A, 128 : i32
    %broadcast_in_dim3A = arith.constant 0.000000e+00 : f32
    %broadcast_in_dim3A_5 = vector.broadcast %broadcast_in_dim3A : f32 to vector<16xf32>
    tpu.enqueue_dma source(%arg2 : memref<10000xf32, #tpu.memory_space<hbm>>) target(%arg9 : memref<10000xf32, #tpu.memory_space<vmem>>) target_semaphore(%arg16 : memref<!tpu.dma_semaphore, #tpu.memory_space<semaphore_mem>>)
    tpu.enqueue_dma source(%arg3 : memref<10000xf32, #tpu.memory_space<hbm>>) target(%arg10 : memref<10000xf32, #tpu.memory_space<vmem>>) target_semaphore(%arg16 : memref<!tpu.dma_semaphore, #tpu.memory_space<semaphore_mem>>)
    %dma_start3A = arith.constant 0 : i32
    %dma_start3A_6 = tpu.memref_slice %arg4[%dma_start3A, %multiple_of3A_4] : memref<2x160000xi32, #tpu.memory_space<hbm>> -> memref<2x5120xi32, #tpu.memory_space<hbm>>
    %dma_start3A_7 = arith.constant 0 : i32
    %dma_start3A_8 = tpu.memref_slice %arg4[%dma_start3A_7, %multiple_of3A_4] : memref<2x160000xi32, #tpu.memory_space<hbm>> -> memref<2x5120xi32, #tpu.memory_space<hbm>>
    tpu.enqueue_dma source(%dma_start3A_8 : memref<2x5120xi32, #tpu.memory_space<hbm>>) target(%arg11 : memref<2x5120xi32, #tpu.memory_space<vmem>>) target_semaphore(%arg16 : memref<!tpu.dma_semaphore, #tpu.memory_space<semaphore_mem>>)
    %dma_start3A_9 = tpu.memref_slice %arg12[%multiple_of3A] : memref<5120xf32, #tpu.memory_space<vmem>> -> memref<5000xf32, #tpu.memory_space<vmem>>
    %dma_start3A_10 = tpu.memref_slice %arg5[%mul3A_2] : memref<160000xf32, #tpu.memory_space<hbm>> -> memref<5000xf32, #tpu.memory_space<hbm>>
    %dma_start3A_11 = tpu.memref_slice %arg12[%multiple_of3A] : memref<5120xf32, #tpu.memory_space<vmem>> -> memref<5000xf32, #tpu.memory_space<vmem>>
    %dma_start3A_12 = tpu.memref_slice %arg5[%mul3A_2] : memref<160000xf32, #tpu.memory_space<hbm>> -> memref<5000xf32, #tpu.memory_space<hbm>>
    tpu.enqueue_dma source(%dma_start3A_12 : memref<5000xf32, #tpu.memory_space<hbm>>) target(%dma_start3A_11 : memref<5000xf32, #tpu.memory_space<vmem>>) target_semaphore(%arg16 : memref<!tpu.dma_semaphore, #tpu.memory_space<semaphore_mem>>)
    %dma_start3A_13 = tpu.memref_slice %arg13[%multiple_of3A] : memref<5120xf32, #tpu.memory_space<vmem>> -> memref<5000xf32, #tpu.memory_space<vmem>>
    %dma_start3A_14 = tpu.memref_slice %arg6[%mul3A_2] : memref<160000xf32, #tpu.memory_space<hbm>> -> memref<5000xf32, #tpu.memory_space<hbm>>
    %dma_start3A_15 = tpu.memref_slice %arg13[%multiple_of3A] : memref<5120xf32, #tpu.memory_space<vmem>> -> memref<5000xf32, #tpu.memory_space<vmem>>
    %dma_start3A_16 = tpu.memref_slice %arg6[%mul3A_2] : memref<160000xf32, #tpu.memory_space<hbm>> -> memref<5000xf32, #tpu.memory_space<hbm>>
    tpu.enqueue_dma source(%dma_start3A_16 : memref<5000xf32, #tpu.memory_space<hbm>>) target(%dma_start3A_15 : memref<5000xf32, #tpu.memory_space<vmem>>) target_semaphore(%arg16 : memref<!tpu.dma_semaphore, #tpu.memory_space<semaphore_mem>>)
    %dma_start3A_17 = tpu.memref_slice %arg14[%multiple_of3A] : memref<5120xf32, #tpu.memory_space<vmem>> -> memref<5000xf32, #tpu.memory_space<vmem>>
    %dma_start3A_18 = tpu.memref_slice %arg7[%mul3A_2] : memref<160000xf32, #tpu.memory_space<hbm>> -> memref<5000xf32, #tpu.memory_space<hbm>>
    %dma_start3A_19 = tpu.memref_slice %arg14[%multiple_of3A] : memref<5120xf32, #tpu.memory_space<vmem>> -> memref<5000xf32, #tpu.memory_space<vmem>>
    %dma_start3A_20 = tpu.memref_slice %arg7[%mul3A_2] : memref<160000xf32, #tpu.memory_space<hbm>> -> memref<5000xf32, #tpu.memory_space<hbm>>
    tpu.enqueue_dma source(%dma_start3A_20 : memref<5000xf32, #tpu.memory_space<hbm>>) target(%dma_start3A_19 : memref<5000xf32, #tpu.memory_space<vmem>>) target_semaphore(%arg16 : memref<!tpu.dma_semaphore, #tpu.memory_space<semaphore_mem>>)
    %parallel_loop3A = arith.constant 0 : i32
    %parallel_loop3A_21 = arith.constant 640 : i32
    %parallel_loop3A_22 = arith.constant 1 : i32
    scf.for %parallel_loop3A_518 = %parallel_loop3A to %parallel_loop3A_21 step %parallel_loop3A_22  : i32 {
      %parallel_loop3A_519 = arith.constant 16 : i32
      %parallel_loop3A_520 = arith.muli %parallel_loop3A_518, %parallel_loop3A_519 : i32
      %parallel_loop3A_521 = arith.index_cast %parallel_loop3A_520 : i32 to index
      %parallel_loop3A_522 = tpu.vector_load %arg15[%parallel_loop3A_521] {strides = array<i32>} : memref<10240xf32, #tpu.memory_space<vmem>>, vector<16xf32>,
      tpu.vector_store %arg15[%parallel_loop3A_521], %broadcast_in_dim3A_5 {strides = array<i32>} : memref<10240xf32, #tpu.memory_space<vmem>>, vector<16xf32>,
    } {sc.loop_unroll_factor = 4 : i64, sc.parallel_access}
    tpu.wait_dma2 semaphore(%arg16 : memref<!tpu.dma_semaphore, #tpu.memory_space<semaphore_mem>>) src(%arg2 : memref<10000xf32, #tpu.memory_space<hbm>>) dst(%arg9 : memref<10000xf32, #tpu.memory_space<vmem>>)
    tpu.wait_dma2 semaphore(%arg16 : memref<!tpu.dma_semaphore, #tpu.memory_space<semaphore_mem>>) src(%arg3 : memref<10000xf32, #tpu.memory_space<hbm>>) dst(%arg10 : memref<10000xf32, #tpu.memory_space<vmem>>)
    %dma_wait3A = arith.constant 0 : i32
    %dma_wait3A_23 = tpu.memref_slice %arg4[%dma_wait3A, %multiple_of3A_4] : memref<2x160000xi32, #tpu.memory_space<hbm>> -> memref<2x5120xi32, #tpu.memory_space<hbm>>
    %dma_wait3A_24 = arith.constant 0 : i32
    %dma_wait3A_25 = tpu.memref_slice %arg4[%dma_wait3A_24, %multiple_of3A_4] : memref<2x160000xi32, #tpu.memory_space<hbm>> -> memref<2x5120xi32, #tpu.memory_space<hbm>>
    tpu.wait_dma2 semaphore(%arg16 : memref<!tpu.dma_semaphore, #tpu.memory_space<semaphore_mem>>) src(%dma_wait3A_25 : memref<2x5120xi32, #tpu.memory_space<hbm>>) dst(%arg11 : memref<2x5120xi32, #tpu.memory_space<vmem>>)
    %dma_wait3A_26 = tpu.memref_slice %arg12[%multiple_of3A] : memref<5120xf32, #tpu.memory_space<vmem>> -> memref<5000xf32, #tpu.memory_space<vmem>>
    %dma_wait3A_27 = tpu.memref_slice %arg5[%mul3A_2] : memref<160000xf32, #tpu.memory_space<hbm>> -> memref<5000xf32, #tpu.memory_space<hbm>>
    %dma_wait3A_28 = tpu.memref_slice %arg12[%multiple_of3A] : memref<5120xf32, #tpu.memory_space<vmem>> -> memref<5000xf32, #tpu.memory_space<vmem>>
    %dma_wait3A_29 = tpu.memref_slice %arg5[%mul3A_2] : memref<160000xf32, #tpu.memory_space<hbm>> -> memref<5000xf32, #tpu.memory_space<hbm>>
    tpu.wait_dma2 semaphore(%arg16 : memref<!tpu.dma_semaphore, #tpu.memory_space<semaphore_mem>>) src(%dma_wait3A_29 : memref<5000xf32, #tpu.memory_space<hbm>>) dst(%dma_wait3A_28 : memref<5000xf32, #tpu.memory_space<vmem>>)
    %dma_wait3A_30 = tpu.memref_slice %arg13[%multiple_of3A] : memref<5120xf32, #tpu.memory_space<vmem>> -> memref<5000xf32, #tpu.memory_space<vmem>>
    %dma_wait3A_31 = tpu.memref_slice %arg6[%mul3A_2] : memref<160000xf32, #tpu.memory_space<hbm>> -> memref<5000xf32, #tpu.memory_space<hbm>>
    %dma_wait3A_32 = tpu.memref_slice %arg13[%multiple_of3A] : memref<5120xf32, #tpu.memory_space<vmem>> -> memref<5000xf32, #tpu.memory_space<vmem>>
    %dma_wait3A_33 = tpu.memref_slice %arg6[%mul3A_2] : memref<160000xf32, #tpu.memory_space<hbm>> -> memref<5000xf32, #tpu.memory_space<hbm>>
    tpu.wait_dma2 semaphore(%arg16 : memref<!tpu.dma_semaphore, #tpu.memory_space<semaphore_mem>>) src(%dma_wait3A_33 : memref<5000xf32, #tpu.memory_space<hbm>>) dst(%dma_wait3A_32 : memref<5000xf32, #tpu.memory_space<vmem>>)
    %dma_wait3A_34 = tpu.memref_slice %arg14[%multiple_of3A] : memref<5120xf32, #tpu.memory_space<vmem>> -> memref<5000xf32, #tpu.memory_space<vmem>>
    %dma_wait3A_35 = tpu.memref_slice %arg7[%mul3A_2] : memref<160000xf32, #tpu.memory_space<hbm>> -> memref<5000xf32, #tpu.memory_space<hbm>>
    %dma_wait3A_36 = tpu.memref_slice %arg14[%multiple_of3A] : memref<5120xf32, #tpu.memory_space<vmem>> -> memref<5000xf32, #tpu.memory_space<vmem>>
    %dma_wait3A_37 = tpu.memref_slice %arg7[%mul3A_2] : memref<160000xf32, #tpu.memory_space<hbm>> -> memref<5000xf32, #tpu.memory_space<hbm>>
    tpu.wait_dma2 semaphore(%arg16 : memref<!tpu.dma_semaphore, #tpu.memory_space<semaphore_mem>>) src(%dma_wait3A_37 : memref<5000xf32, #tpu.memory_space<hbm>>) dst(%dma_wait3A_36 : memref<5000xf32, #tpu.memory_space<vmem>>)
    %iota3A = tpu.iota {dimensions = array<i32: 0>} : vector<16xi32>
    %broadcast_in_dim3A_38 = arith.constant 0 : i32
    %broadcast_in_dim3A_39 = vector.broadcast %broadcast_in_dim3A_38 : i32 to vector<16xi32>
    %get3A = arith.constant 0 : i32
    %get3A_40 = arith.index_cast %get3A : i32 to index
    %get3A_41 = arith.constant 0 : index
    %get3A_42 = tpu.vector_load %arg11[%get3A_40, %get3A_41] {strides = array<i32>} : memref<2x5120xi32, #tpu.memory_space<vmem>>, vector<16xi32>,
    %add3A_43 = arith.constant 0 : i32
    %add3A_44 = vector.broadcast %add3A_43 : i32 to vector<16xi32>
    %add3A_45 = arith.addi %iota3A, %add3A_44 : vector<16xi32>
    %lt3A = vector.broadcast %multiple_of3A : i32 to vector<16xi32>
    %lt3A_46 = arith.cmpi slt, %add3A_45, %lt3A : vector<16xi32>
    %select_n3A = arith.select %lt3A_46, %broadcast_in_dim3A_39, %get3A_42 : vector<16xi1>, vector<16xi32>
    %swap3A = arith.constant 0 : i32
    %swap3A_47 = arith.index_cast %swap3A : i32 to index
    %swap3A_48 = arith.constant 0 : index
    %swap3A_49 = tpu.vector_load %arg11[%swap3A_47, %swap3A_48] {strides = array<i32>} : memref<2x5120xi32, #tpu.memory_space<vmem>>, vector<16xi32>,
    tpu.vector_store %arg11[%swap3A_47, %swap3A_48], %select_n3A {strides = array<i32>} : memref<2x5120xi32, #tpu.memory_space<vmem>>, vector<16xi32>,
    %get3A_50 = arith.constant 0 : i32
    %get3A_51 = arith.index_cast %get3A_50 : i32 to index
    %get3A_52 = arith.constant 16 : index
    %get3A_53 = tpu.vector_load %arg11[%get3A_51, %get3A_52] {strides = array<i32>} : memref<2x5120xi32, #tpu.memory_space<vmem>>, vector<16xi32>,
    %add3A_54 = arith.constant 16 : i32
    %add3A_55 = vector.broadcast %add3A_54 : i32 to vector<16xi32>
    %add3A_56 = arith.addi %iota3A, %add3A_55 : vector<16xi32>
    %lt3A_57 = vector.broadcast %multiple_of3A : i32 to vector<16xi32>
    %lt3A_58 = arith.cmpi slt, %add3A_56, %lt3A_57 : vector<16xi32>
    %select_n3A_59 = arith.select %lt3A_58, %broadcast_in_dim3A_39, %get3A_53 : vector<16xi1>, vector<16xi32>
    %swap3A_60 = arith.constant 0 : i32
    %swap3A_61 = arith.index_cast %swap3A_60 : i32 to index
    %swap3A_62 = arith.constant 16 : index
    %swap3A_63 = tpu.vector_load %arg11[%swap3A_61, %swap3A_62] {strides = array<i32>} : memref<2x5120xi32, #tpu.memory_space<vmem>>, vector<16xi32>,
    tpu.vector_store %arg11[%swap3A_61, %swap3A_62], %select_n3A_59 {strides = array<i32>} : memref<2x5120xi32, #tpu.memory_space<vmem>>, vector<16xi32>,
    %get3A_64 = arith.constant 0 : i32
    %get3A_65 = arith.index_cast %get3A_64 : i32 to index
    %get3A_66 = arith.constant 32 : index
    %get3A_67 = tpu.vector_load %arg11[%get3A_65, %get3A_66] {strides = array<i32>} : memref<2x5120xi32, #tpu.memory_space<vmem>>, vector<16xi32>,
    %add3A_68 = arith.constant 32 : i32
    %add3A_69 = vector.broadcast %add3A_68 : i32 to vector<16xi32>
    %add3A_70 = arith.addi %iota3A, %add3A_69 : vector<16xi32>
    %lt3A_71 = vector.broadcast %multiple_of3A : i32 to vector<16xi32>
    %lt3A_72 = arith.cmpi slt, %add3A_70, %lt3A_71 : vector<16xi32>
    %select_n3A_73 = arith.select %lt3A_72, %broadcast_in_dim3A_39, %get3A_67 : vector<16xi1>, vector<16xi32>
    %swap3A_74 = arith.constant 0 : i32
    %swap3A_75 = arith.index_cast %swap3A_74 : i32 to index
    %swap3A_76 = arith.constant 32 : index
    %swap3A_77 = tpu.vector_load %arg11[%swap3A_75, %swap3A_76] {strides = array<i32>} : memref<2x5120xi32, #tpu.memory_space<vmem>>, vector<16xi32>,
    tpu.vector_store %arg11[%swap3A_75, %swap3A_76], %select_n3A_73 {strides = array<i32>} : memref<2x5120xi32, #tpu.memory_space<vmem>>, vector<16xi32>,
    %get3A_78 = arith.constant 0 : i32
    %get3A_79 = arith.index_cast %get3A_78 : i32 to index
    %get3A_80 = arith.constant 48 : index
    %get3A_81 = tpu.vector_load %arg11[%get3A_79, %get3A_80] {strides = array<i32>} : memref<2x5120xi32, #tpu.memory_space<vmem>>, vector<16xi32>,
    %add3A_82 = arith.constant 48 : i32
    %add3A_83 = vector.broadcast %add3A_82 : i32 to vector<16xi32>
    %add3A_84 = arith.addi %iota3A, %add3A_83 : vector<16xi32>
    %lt3A_85 = vector.broadcast %multiple_of3A : i32 to vector<16xi32>
    %lt3A_86 = arith.cmpi slt, %add3A_84, %lt3A_85 : vector<16xi32>
    %select_n3A_87 = arith.select %lt3A_86, %broadcast_in_dim3A_39, %get3A_81 : vector<16xi1>, vector<16xi32>
    %swap3A_88 = arith.constant 0 : i32
    %swap3A_89 = arith.index_cast %swap3A_88 : i32 to index
    %swap3A_90 = arith.constant 48 : index
    %swap3A_91 = tpu.vector_load %arg11[%swap3A_89, %swap3A_90] {strides = array<i32>} : memref<2x5120xi32, #tpu.memory_space<vmem>>, vector<16xi32>,
    tpu.vector_store %arg11[%swap3A_89, %swap3A_90], %select_n3A_87 {strides = array<i32>} : memref<2x5120xi32, #tpu.memory_space<vmem>>, vector<16xi32>,
    %get3A_92 = arith.constant 0 : i32
    %get3A_93 = arith.index_cast %get3A_92 : i32 to index
    %get3A_94 = arith.constant 64 : index
    %get3A_95 = tpu.vector_load %arg11[%get3A_93, %get3A_94] {strides = array<i32>} : memref<2x5120xi32, #tpu.memory_space<vmem>>, vector<16xi32>,
    %add3A_96 = arith.constant 64 : i32
    %add3A_97 = vector.broadcast %add3A_96 : i32 to vector<16xi32>
    %add3A_98 = arith.addi %iota3A, %add3A_97 : vector<16xi32>
    %lt3A_99 = vector.broadcast %multiple_of3A : i32 to vector<16xi32>
    %lt3A_100 = arith.cmpi slt, %add3A_98, %lt3A_99 : vector<16xi32>
    %select_n3A_101 = arith.select %lt3A_100, %broadcast_in_dim3A_39, %get3A_95 : vector<16xi1>, vector<16xi32>
    %swap3A_102 = arith.constant 0 : i32
    %swap3A_103 = arith.index_cast %swap3A_102 : i32 to index
    %swap3A_104 = arith.constant 64 : index
    %swap3A_105 = tpu.vector_load %arg11[%swap3A_103, %swap3A_104] {strides = array<i32>} : memref<2x5120xi32, #tpu.memory_space<vmem>>, vector<16xi32>,
    tpu.vector_store %arg11[%swap3A_103, %swap3A_104], %select_n3A_101 {strides = array<i32>} : memref<2x5120xi32, #tpu.memory_space<vmem>>, vector<16xi32>,
    %get3A_106 = arith.constant 0 : i32
    %get3A_107 = arith.index_cast %get3A_106 : i32 to index
    %get3A_108 = arith.constant 80 : index
    %get3A_109 = tpu.vector_load %arg11[%get3A_107, %get3A_108] {strides = array<i32>} : memref<2x5120xi32, #tpu.memory_space<vmem>>, vector<16xi32>,
    %add3A_110 = arith.constant 80 : i32
    %add3A_111 = vector.broadcast %add3A_110 : i32 to vector<16xi32>
    %add3A_112 = arith.addi %iota3A, %add3A_111 : vector<16xi32>
    %lt3A_113 = vector.broadcast %multiple_of3A : i32 to vector<16xi32>
    %lt3A_114 = arith.cmpi slt, %add3A_112, %lt3A_113 : vector<16xi32>
    %select_n3A_115 = arith.select %lt3A_114, %broadcast_in_dim3A_39, %get3A_109 : vector<16xi1>, vector<16xi32>
    %swap3A_116 = arith.constant 0 : i32
    %swap3A_117 = arith.index_cast %swap3A_116 : i32 to index
    %swap3A_118 = arith.constant 80 : index
    %swap3A_119 = tpu.vector_load %arg11[%swap3A_117, %swap3A_118] {strides = array<i32>} : memref<2x5120xi32, #tpu.memory_space<vmem>>, vector<16xi32>,
    tpu.vector_store %arg11[%swap3A_117, %swap3A_118], %select_n3A_115 {strides = array<i32>} : memref<2x5120xi32, #tpu.memory_space<vmem>>, vector<16xi32>,
    %get3A_120 = arith.constant 0 : i32
    %get3A_121 = arith.index_cast %get3A_120 : i32 to index
    %get3A_122 = arith.constant 96 : index
    %get3A_123 = tpu.vector_load %arg11[%get3A_121, %get3A_122] {strides = array<i32>} : memref<2x5120xi32, #tpu.memory_space<vmem>>, vector<16xi32>,
    %add3A_124 = arith.constant 96 : i32
    %add3A_125 = vector.broadcast %add3A_124 : i32 to vector<16xi32>
    %add3A_126 = arith.addi %iota3A, %add3A_125 : vector<16xi32>
    %lt3A_127 = vector.broadcast %multiple_of3A : i32 to vector<16xi32>
    %lt3A_128 = arith.cmpi slt, %add3A_126, %lt3A_127 : vector<16xi32>
    %select_n3A_129 = arith.select %lt3A_128, %broadcast_in_dim3A_39, %get3A_123 : vector<16xi1>, vector<16xi32>
    %swap3A_130 = arith.constant 0 : i32
    %swap3A_131 = arith.index_cast %swap3A_130 : i32 to index
    %swap3A_132 = arith.constant 96 : index
    %swap3A_133 = tpu.vector_load %arg11[%swap3A_131, %swap3A_132] {strides = array<i32>} : memref<2x5120xi32, #tpu.memory_space<vmem>>, vector<16xi32>,
    tpu.vector_store %arg11[%swap3A_131, %swap3A_132], %select_n3A_129 {strides = array<i32>} : memref<2x5120xi32, #tpu.memory_space<vmem>>, vector<16xi32>,
    %get3A_134 = arith.constant 0 : i32
    %get3A_135 = arith.index_cast %get3A_134 : i32 to index
    %get3A_136 = arith.constant 112 : index
    %get3A_137 = tpu.vector_load %arg11[%get3A_135, %get3A_136] {strides = array<i32>} : memref<2x5120xi32, #tpu.memory_space<vmem>>, vector<16xi32>,
    %add3A_138 = arith.constant 112 : i32
    %add3A_139 = vector.broadcast %add3A_138 : i32 to vector<16xi32>
    %add3A_140 = arith.addi %iota3A, %add3A_139 : vector<16xi32>
    %lt3A_141 = vector.broadcast %multiple_of3A : i32 to vector<16xi32>
    %lt3A_142 = arith.cmpi slt, %add3A_140, %lt3A_141 : vector<16xi32>
    %select_n3A_143 = arith.select %lt3A_142, %broadcast_in_dim3A_39, %get3A_137 : vector<16xi1>, vector<16xi32>
    %swap3A_144 = arith.constant 0 : i32
    %swap3A_145 = arith.index_cast %swap3A_144 : i32 to index
    %swap3A_146 = arith.constant 112 : index
    %swap3A_147 = tpu.vector_load %arg11[%swap3A_145, %swap3A_146] {strides = array<i32>} : memref<2x5120xi32, #tpu.memory_space<vmem>>, vector<16xi32>,
    tpu.vector_store %arg11[%swap3A_145, %swap3A_146], %select_n3A_143 {strides = array<i32>} : memref<2x5120xi32, #tpu.memory_space<vmem>>, vector<16xi32>,
    %get3A_148 = arith.constant 0 : i32
    %get3A_149 = arith.index_cast %get3A_148 : i32 to index
    %get3A_150 = arith.constant 4992 : index
    %get3A_151 = tpu.vector_load %arg11[%get3A_149, %get3A_150] {strides = array<i32>} : memref<2x5120xi32, #tpu.memory_space<vmem>>, vector<16xi32>,
    %add3A_152 = arith.constant 4992 : i32
    %add3A_153 = vector.broadcast %add3A_152 : i32 to vector<16xi32>
    %add3A_154 = arith.addi %iota3A, %add3A_153 : vector<16xi32>
    %add3A_155 = arith.constant 5000 : i32
    %add3A_156 = arith.addi %multiple_of3A, %add3A_155 : i32
    %ge3A = vector.broadcast %add3A_156 : i32 to vector<16xi32>
    %ge3A_157 = arith.cmpi sge, %add3A_154, %ge3A : vector<16xi32>
    %select_n3A_158 = arith.select %ge3A_157, %broadcast_in_dim3A_39, %get3A_151 : vector<16xi1>, vector<16xi32>
    %swap3A_159 = arith.constant 0 : i32
    %swap3A_160 = arith.index_cast %swap3A_159 : i32 to index
    %swap3A_161 = arith.constant 4992 : index
    %swap3A_162 = tpu.vector_load %arg11[%swap3A_160, %swap3A_161] {strides = array<i32>} : memref<2x5120xi32, #tpu.memory_space<vmem>>, vector<16xi32>,
    tpu.vector_store %arg11[%swap3A_160, %swap3A_161], %select_n3A_158 {strides = array<i32>} : memref<2x5120xi32, #tpu.memory_space<vmem>>, vector<16xi32>,
    %get3A_163 = arith.constant 0 : i32
    %get3A_164 = arith.index_cast %get3A_163 : i32 to index
    %get3A_165 = arith.constant 5008 : index
    %get3A_166 = tpu.vector_load %arg11[%get3A_164, %get3A_165] {strides = array<i32>} : memref<2x5120xi32, #tpu.memory_space<vmem>>, vector<16xi32>,
    %add3A_167 = arith.constant 5008 : i32
    %add3A_168 = vector.broadcast %add3A_167 : i32 to vector<16xi32>
    %add3A_169 = arith.addi %iota3A, %add3A_168 : vector<16xi32>
    %add3A_170 = arith.constant 5000 : i32
    %add3A_171 = arith.addi %multiple_of3A, %add3A_170 : i32
    %ge3A_172 = vector.broadcast %add3A_171 : i32 to vector<16xi32>
    %ge3A_173 = arith.cmpi sge, %add3A_169, %ge3A_172 : vector<16xi32>
    %select_n3A_174 = arith.select %ge3A_173, %broadcast_in_dim3A_39, %get3A_166 : vector<16xi1>, vector<16xi32>
    %swap3A_175 = arith.constant 0 : i32
    %swap3A_176 = arith.index_cast %swap3A_175 : i32 to index
    %swap3A_177 = arith.constant 5008 : index
    %swap3A_178 = tpu.vector_load %arg11[%swap3A_176, %swap3A_177] {strides = array<i32>} : memref<2x5120xi32, #tpu.memory_space<vmem>>, vector<16xi32>,
    tpu.vector_store %arg11[%swap3A_176, %swap3A_177], %select_n3A_174 {strides = array<i32>} : memref<2x5120xi32, #tpu.memory_space<vmem>>, vector<16xi32>,
    %get3A_179 = arith.constant 0 : i32
    %get3A_180 = arith.index_cast %get3A_179 : i32 to index
    %get3A_181 = arith.constant 5024 : index
    %get3A_182 = tpu.vector_load %arg11[%get3A_180, %get3A_181] {strides = array<i32>} : memref<2x5120xi32, #tpu.memory_space<vmem>>, vector<16xi32>,
    %add3A_183 = arith.constant 5024 : i32
    %add3A_184 = vector.broadcast %add3A_183 : i32 to vector<16xi32>
    %add3A_185 = arith.addi %iota3A, %add3A_184 : vector<16xi32>
    %add3A_186 = arith.constant 5000 : i32
    %add3A_187 = arith.addi %multiple_of3A, %add3A_186 : i32
    %ge3A_188 = vector.broadcast %add3A_187 : i32 to vector<16xi32>
    %ge3A_189 = arith.cmpi sge, %add3A_185, %ge3A_188 : vector<16xi32>
    %select_n3A_190 = arith.select %ge3A_189, %broadcast_in_dim3A_39, %get3A_182 : vector<16xi1>, vector<16xi32>
    %swap3A_191 = arith.constant 0 : i32
    %swap3A_192 = arith.index_cast %swap3A_191 : i32 to index
    %swap3A_193 = arith.constant 5024 : index
    %swap3A_194 = tpu.vector_load %arg11[%swap3A_192, %swap3A_193] {strides = array<i32>} : memref<2x5120xi32, #tpu.memory_space<vmem>>, vector<16xi32>,
    tpu.vector_store %arg11[%swap3A_192, %swap3A_193], %select_n3A_190 {strides = array<i32>} : memref<2x5120xi32, #tpu.memory_space<vmem>>, vector<16xi32>,
    %get3A_195 = arith.constant 0 : i32
    %get3A_196 = arith.index_cast %get3A_195 : i32 to index
    %get3A_197 = arith.constant 5040 : index
    %get3A_198 = tpu.vector_load %arg11[%get3A_196, %get3A_197] {strides = array<i32>} : memref<2x5120xi32, #tpu.memory_space<vmem>>, vector<16xi32>,
    %add3A_199 = arith.constant 5040 : i32
    %add3A_200 = vector.broadcast %add3A_199 : i32 to vector<16xi32>
    %add3A_201 = arith.addi %iota3A, %add3A_200 : vector<16xi32>
    %add3A_202 = arith.constant 5000 : i32
    %add3A_203 = arith.addi %multiple_of3A, %add3A_202 : i32
    %ge3A_204 = vector.broadcast %add3A_203 : i32 to vector<16xi32>
    %ge3A_205 = arith.cmpi sge, %add3A_201, %ge3A_204 : vector<16xi32>
    %select_n3A_206 = arith.select %ge3A_205, %broadcast_in_dim3A_39, %get3A_198 : vector<16xi1>, vector<16xi32>
    %swap3A_207 = arith.constant 0 : i32
    %swap3A_208 = arith.index_cast %swap3A_207 : i32 to index
    %swap3A_209 = arith.constant 5040 : index
    %swap3A_210 = tpu.vector_load %arg11[%swap3A_208, %swap3A_209] {strides = array<i32>} : memref<2x5120xi32, #tpu.memory_space<vmem>>, vector<16xi32>,
    tpu.vector_store %arg11[%swap3A_208, %swap3A_209], %select_n3A_206 {strides = array<i32>} : memref<2x5120xi32, #tpu.memory_space<vmem>>, vector<16xi32>,
    %get3A_211 = arith.constant 0 : i32
    %get3A_212 = arith.index_cast %get3A_211 : i32 to index
    %get3A_213 = arith.constant 5056 : index
    %get3A_214 = tpu.vector_load %arg11[%get3A_212, %get3A_213] {strides = array<i32>} : memref<2x5120xi32, #tpu.memory_space<vmem>>, vector<16xi32>,
    %add3A_215 = arith.constant 5056 : i32
    %add3A_216 = vector.broadcast %add3A_215 : i32 to vector<16xi32>
    %add3A_217 = arith.addi %iota3A, %add3A_216 : vector<16xi32>
    %add3A_218 = arith.constant 5000 : i32
    %add3A_219 = arith.addi %multiple_of3A, %add3A_218 : i32
    %ge3A_220 = vector.broadcast %add3A_219 : i32 to vector<16xi32>
    %ge3A_221 = arith.cmpi sge, %add3A_217, %ge3A_220 : vector<16xi32>
    %select_n3A_222 = arith.select %ge3A_221, %broadcast_in_dim3A_39, %get3A_214 : vector<16xi1>, vector<16xi32>
    %swap3A_223 = arith.constant 0 : i32
    %swap3A_224 = arith.index_cast %swap3A_223 : i32 to index
    %swap3A_225 = arith.constant 5056 : index
    %swap3A_226 = tpu.vector_load %arg11[%swap3A_224, %swap3A_225] {strides = array<i32>} : memref<2x5120xi32, #tpu.memory_space<vmem>>, vector<16xi32>,
    tpu.vector_store %arg11[%swap3A_224, %swap3A_225], %select_n3A_222 {strides = array<i32>} : memref<2x5120xi32, #tpu.memory_space<vmem>>, vector<16xi32>,
    %get3A_227 = arith.constant 0 : i32
    %get3A_228 = arith.index_cast %get3A_227 : i32 to index
    %get3A_229 = arith.constant 5072 : index
    %get3A_230 = tpu.vector_load %arg11[%get3A_228, %get3A_229] {strides = array<i32>} : memref<2x5120xi32, #tpu.memory_space<vmem>>, vector<16xi32>,
    %add3A_231 = arith.constant 5072 : i32
    %add3A_232 = vector.broadcast %add3A_231 : i32 to vector<16xi32>
    %add3A_233 = arith.addi %iota3A, %add3A_232 : vector<16xi32>
    %add3A_234 = arith.constant 5000 : i32
    %add3A_235 = arith.addi %multiple_of3A, %add3A_234 : i32
    %ge3A_236 = vector.broadcast %add3A_235 : i32 to vector<16xi32>
    %ge3A_237 = arith.cmpi sge, %add3A_233, %ge3A_236 : vector<16xi32>
    %select_n3A_238 = arith.select %ge3A_237, %broadcast_in_dim3A_39, %get3A_230 : vector<16xi1>, vector<16xi32>
    %swap3A_239 = arith.constant 0 : i32
    %swap3A_240 = arith.index_cast %swap3A_239 : i32 to index
    %swap3A_241 = arith.constant 5072 : index
    %swap3A_242 = tpu.vector_load %arg11[%swap3A_240, %swap3A_241] {strides = array<i32>} : memref<2x5120xi32, #tpu.memory_space<vmem>>, vector<16xi32>,
    tpu.vector_store %arg11[%swap3A_240, %swap3A_241], %select_n3A_238 {strides = array<i32>} : memref<2x5120xi32, #tpu.memory_space<vmem>>, vector<16xi32>,
    %get3A_243 = arith.constant 0 : i32
    %get3A_244 = arith.index_cast %get3A_243 : i32 to index
    %get3A_245 = arith.constant 5088 : index
    %get3A_246 = tpu.vector_load %arg11[%get3A_244, %get3A_245] {strides = array<i32>} : memref<2x5120xi32, #tpu.memory_space<vmem>>, vector<16xi32>,
    %add3A_247 = arith.constant 5088 : i32
    %add3A_248 = vector.broadcast %add3A_247 : i32 to vector<16xi32>
    %add3A_249 = arith.addi %iota3A, %add3A_248 : vector<16xi32>
    %add3A_250 = arith.constant 5000 : i32
    %add3A_251 = arith.addi %multiple_of3A, %add3A_250 : i32
    %ge3A_252 = vector.broadcast %add3A_251 : i32 to vector<16xi32>
    %ge3A_253 = arith.cmpi sge, %add3A_249, %ge3A_252 : vector<16xi32>
    %select_n3A_254 = arith.select %ge3A_253, %broadcast_in_dim3A_39, %get3A_246 : vector<16xi1>, vector<16xi32>
    %swap3A_255 = arith.constant 0 : i32
    %swap3A_256 = arith.index_cast %swap3A_255 : i32 to index
    %swap3A_257 = arith.constant 5088 : index
    %swap3A_258 = tpu.vector_load %arg11[%swap3A_256, %swap3A_257] {strides = array<i32>} : memref<2x5120xi32, #tpu.memory_space<vmem>>, vector<16xi32>,
    tpu.vector_store %arg11[%swap3A_256, %swap3A_257], %select_n3A_254 {strides = array<i32>} : memref<2x5120xi32, #tpu.memory_space<vmem>>, vector<16xi32>,
    %get3A_259 = arith.constant 0 : i32
    %get3A_260 = arith.index_cast %get3A_259 : i32 to index
    %get3A_261 = arith.constant 5104 : index
    %get3A_262 = tpu.vector_load %arg11[%get3A_260, %get3A_261] {strides = array<i32>} : memref<2x5120xi32, #tpu.memory_space<vmem>>, vector<16xi32>,
    %add3A_263 = arith.constant 5104 : i32
    %add3A_264 = vector.broadcast %add3A_263 : i32 to vector<16xi32>
    %add3A_265 = arith.addi %iota3A, %add3A_264 : vector<16xi32>
    %add3A_266 = arith.constant 5000 : i32
    %add3A_267 = arith.addi %multiple_of3A, %add3A_266 : i32
    %ge3A_268 = vector.broadcast %add3A_267 : i32 to vector<16xi32>
    %ge3A_269 = arith.cmpi sge, %add3A_265, %ge3A_268 : vector<16xi32>
    %select_n3A_270 = arith.select %ge3A_269, %broadcast_in_dim3A_39, %get3A_262 : vector<16xi1>, vector<16xi32>
    %swap3A_271 = arith.constant 0 : i32
    %swap3A_272 = arith.index_cast %swap3A_271 : i32 to index
    %swap3A_273 = arith.constant 5104 : index
    %swap3A_274 = tpu.vector_load %arg11[%swap3A_272, %swap3A_273] {strides = array<i32>} : memref<2x5120xi32, #tpu.memory_space<vmem>>, vector<16xi32>,
    tpu.vector_store %arg11[%swap3A_272, %swap3A_273], %select_n3A_270 {strides = array<i32>} : memref<2x5120xi32, #tpu.memory_space<vmem>>, vector<16xi32>,
    %get3A_275 = arith.constant 1 : i32
    %get3A_276 = arith.index_cast %get3A_275 : i32 to index
    %get3A_277 = arith.constant 0 : index
    %get3A_278 = tpu.vector_load %arg11[%get3A_276, %get3A_277] {strides = array<i32>} : memref<2x5120xi32, #tpu.memory_space<vmem>>, vector<16xi32>,
    %add3A_279 = arith.constant 0 : i32
    %add3A_280 = vector.broadcast %add3A_279 : i32 to vector<16xi32>
    %add3A_281 = arith.addi %iota3A, %add3A_280 : vector<16xi32>
    %lt3A_282 = vector.broadcast %multiple_of3A : i32 to vector<16xi32>
    %lt3A_283 = arith.cmpi slt, %add3A_281, %lt3A_282 : vector<16xi32>
    %select_n3A_284 = arith.select %lt3A_283, %broadcast_in_dim3A_39, %get3A_278 : vector<16xi1>, vector<16xi32>
    %swap3A_285 = arith.constant 1 : i32
    %swap3A_286 = arith.index_cast %swap3A_285 : i32 to index
    %swap3A_287 = arith.constant 0 : index
    %swap3A_288 = tpu.vector_load %arg11[%swap3A_286, %swap3A_287] {strides = array<i32>} : memref<2x5120xi32, #tpu.memory_space<vmem>>, vector<16xi32>,
    tpu.vector_store %arg11[%swap3A_286, %swap3A_287], %select_n3A_284 {strides = array<i32>} : memref<2x5120xi32, #tpu.memory_space<vmem>>, vector<16xi32>,
    %get3A_289 = arith.constant 1 : i32
    %get3A_290 = arith.index_cast %get3A_289 : i32 to index
    %get3A_291 = arith.constant 16 : index
    %get3A_292 = tpu.vector_load %arg11[%get3A_290, %get3A_291] {strides = array<i32>} : memref<2x5120xi32, #tpu.memory_space<vmem>>, vector<16xi32>,
    %add3A_293 = arith.constant 16 : i32
    %add3A_294 = vector.broadcast %add3A_293 : i32 to vector<16xi32>
    %add3A_295 = arith.addi %iota3A, %add3A_294 : vector<16xi32>
    %lt3A_296 = vector.broadcast %multiple_of3A : i32 to vector<16xi32>
    %lt3A_297 = arith.cmpi slt, %add3A_295, %lt3A_296 : vector<16xi32>
    %select_n3A_298 = arith.select %lt3A_297, %broadcast_in_dim3A_39, %get3A_292 : vector<16xi1>, vector<16xi32>
    %swap3A_299 = arith.constant 1 : i32
    %swap3A_300 = arith.index_cast %swap3A_299 : i32 to index
    %swap3A_301 = arith.constant 16 : index
    %swap3A_302 = tpu.vector_load %arg11[%swap3A_300, %swap3A_301] {strides = array<i32>} : memref<2x5120xi32, #tpu.memory_space<vmem>>, vector<16xi32>,
    tpu.vector_store %arg11[%swap3A_300, %swap3A_301], %select_n3A_298 {strides = array<i32>} : memref<2x5120xi32, #tpu.memory_space<vmem>>, vector<16xi32>,
    %get3A_303 = arith.constant 1 : i32
    %get3A_304 = arith.index_cast %get3A_303 : i32 to index
    %get3A_305 = arith.constant 32 : index
    %get3A_306 = tpu.vector_load %arg11[%get3A_304, %get3A_305] {strides = array<i32>} : memref<2x5120xi32, #tpu.memory_space<vmem>>, vector<16xi32>,
    %add3A_307 = arith.constant 32 : i32
    %add3A_308 = vector.broadcast %add3A_307 : i32 to vector<16xi32>
    %add3A_309 = arith.addi %iota3A, %add3A_308 : vector<16xi32>
    %lt3A_310 = vector.broadcast %multiple_of3A : i32 to vector<16xi32>
    %lt3A_311 = arith.cmpi slt, %add3A_309, %lt3A_310 : vector<16xi32>
    %select_n3A_312 = arith.select %lt3A_311, %broadcast_in_dim3A_39, %get3A_306 : vector<16xi1>, vector<16xi32>
    %swap3A_313 = arith.constant 1 : i32
    %swap3A_314 = arith.index_cast %swap3A_313 : i32 to index
    %swap3A_315 = arith.constant 32 : index
    %swap3A_316 = tpu.vector_load %arg11[%swap3A_314, %swap3A_315] {strides = array<i32>} : memref<2x5120xi32, #tpu.memory_space<vmem>>, vector<16xi32>,
    tpu.vector_store %arg11[%swap3A_314, %swap3A_315], %select_n3A_312 {strides = array<i32>} : memref<2x5120xi32, #tpu.memory_space<vmem>>, vector<16xi32>,
    %get3A_317 = arith.constant 1 : i32
    %get3A_318 = arith.index_cast %get3A_317 : i32 to index
    %get3A_319 = arith.constant 48 : index
    %get3A_320 = tpu.vector_load %arg11[%get3A_318, %get3A_319] {strides = array<i32>} : memref<2x5120xi32, #tpu.memory_space<vmem>>, vector<16xi32>,
    %add3A_321 = arith.constant 48 : i32
    %add3A_322 = vector.broadcast %add3A_321 : i32 to vector<16xi32>
    %add3A_323 = arith.addi %iota3A, %add3A_322 : vector<16xi32>
    %lt3A_324 = vector.broadcast %multiple_of3A : i32 to vector<16xi32>
    %lt3A_325 = arith.cmpi slt, %add3A_323, %lt3A_324 : vector<16xi32>
    %select_n3A_326 = arith.select %lt3A_325, %broadcast_in_dim3A_39, %get3A_320 : vector<16xi1>, vector<16xi32>
    %swap3A_327 = arith.constant 1 : i32
    %swap3A_328 = arith.index_cast %swap3A_327 : i32 to index
    %swap3A_329 = arith.constant 48 : index
    %swap3A_330 = tpu.vector_load %arg11[%swap3A_328, %swap3A_329] {strides = array<i32>} : memref<2x5120xi32, #tpu.memory_space<vmem>>, vector<16xi32>,
    tpu.vector_store %arg11[%swap3A_328, %swap3A_329], %select_n3A_326 {strides = array<i32>} : memref<2x5120xi32, #tpu.memory_space<vmem>>, vector<16xi32>,
    %get3A_331 = arith.constant 1 : i32
    %get3A_332 = arith.index_cast %get3A_331 : i32 to index
    %get3A_333 = arith.constant 64 : index
    %get3A_334 = tpu.vector_load %arg11[%get3A_332, %get3A_333] {strides = array<i32>} : memref<2x5120xi32, #tpu.memory_space<vmem>>, vector<16xi32>,
    %add3A_335 = arith.constant 64 : i32
    %add3A_336 = vector.broadcast %add3A_335 : i32 to vector<16xi32>
    %add3A_337 = arith.addi %iota3A, %add3A_336 : vector<16xi32>
    %lt3A_338 = vector.broadcast %multiple_of3A : i32 to vector<16xi32>
    %lt3A_339 = arith.cmpi slt, %add3A_337, %lt3A_338 : vector<16xi32>
    %select_n3A_340 = arith.select %lt3A_339, %broadcast_in_dim3A_39, %get3A_334 : vector<16xi1>, vector<16xi32>
    %swap3A_341 = arith.constant 1 : i32
    %swap3A_342 = arith.index_cast %swap3A_341 : i32 to index
    %swap3A_343 = arith.constant 64 : index
    %swap3A_344 = tpu.vector_load %arg11[%swap3A_342, %swap3A_343] {strides = array<i32>} : memref<2x5120xi32, #tpu.memory_space<vmem>>, vector<16xi32>,
    tpu.vector_store %arg11[%swap3A_342, %swap3A_343], %select_n3A_340 {strides = array<i32>} : memref<2x5120xi32, #tpu.memory_space<vmem>>, vector<16xi32>,
    %get3A_345 = arith.constant 1 : i32
    %get3A_346 = arith.index_cast %get3A_345 : i32 to index
    %get3A_347 = arith.constant 80 : index
    %get3A_348 = tpu.vector_load %arg11[%get3A_346, %get3A_347] {strides = array<i32>} : memref<2x5120xi32, #tpu.memory_space<vmem>>, vector<16xi32>,
    %add3A_349 = arith.constant 80 : i32
    %add3A_350 = vector.broadcast %add3A_349 : i32 to vector<16xi32>
    %add3A_351 = arith.addi %iota3A, %add3A_350 : vector<16xi32>
    %lt3A_352 = vector.broadcast %multiple_of3A : i32 to vector<16xi32>
    %lt3A_353 = arith.cmpi slt, %add3A_351, %lt3A_352 : vector<16xi32>
    %select_n3A_354 = arith.select %lt3A_353, %broadcast_in_dim3A_39, %get3A_348 : vector<16xi1>, vector<16xi32>
    %swap3A_355 = arith.constant 1 : i32
    %swap3A_356 = arith.index_cast %swap3A_355 : i32 to index
    %swap3A_357 = arith.constant 80 : index
    %swap3A_358 = tpu.vector_load %arg11[%swap3A_356, %swap3A_357] {strides = array<i32>} : memref<2x5120xi32, #tpu.memory_space<vmem>>, vector<16xi32>,
    tpu.vector_store %arg11[%swap3A_356, %swap3A_357], %select_n3A_354 {strides = array<i32>} : memref<2x5120xi32, #tpu.memory_space<vmem>>, vector<16xi32>,
    %get3A_359 = arith.constant 1 : i32
    %get3A_360 = arith.index_cast %get3A_359 : i32 to index
    %get3A_361 = arith.constant 96 : index
    %get3A_362 = tpu.vector_load %arg11[%get3A_360, %get3A_361] {strides = array<i32>} : memref<2x5120xi32, #tpu.memory_space<vmem>>, vector<16xi32>,
    %add3A_363 = arith.constant 96 : i32
    %add3A_364 = vector.broadcast %add3A_363 : i32 to vector<16xi32>
    %add3A_365 = arith.addi %iota3A, %add3A_364 : vector<16xi32>
    %lt3A_366 = vector.broadcast %multiple_of3A : i32 to vector<16xi32>
    %lt3A_367 = arith.cmpi slt, %add3A_365, %lt3A_366 : vector<16xi32>
    %select_n3A_368 = arith.select %lt3A_367, %broadcast_in_dim3A_39, %get3A_362 : vector<16xi1>, vector<16xi32>
    %swap3A_369 = arith.constant 1 : i32
    %swap3A_370 = arith.index_cast %swap3A_369 : i32 to index
    %swap3A_371 = arith.constant 96 : index
    %swap3A_372 = tpu.vector_load %arg11[%swap3A_370, %swap3A_371] {strides = array<i32>} : memref<2x5120xi32, #tpu.memory_space<vmem>>, vector<16xi32>,
    tpu.vector_store %arg11[%swap3A_370, %swap3A_371], %select_n3A_368 {strides = array<i32>} : memref<2x5120xi32, #tpu.memory_space<vmem>>, vector<16xi32>,
    %get3A_373 = arith.constant 1 : i32
    %get3A_374 = arith.index_cast %get3A_373 : i32 to index
    %get3A_375 = arith.constant 112 : index
    %get3A_376 = tpu.vector_load %arg11[%get3A_374, %get3A_375] {strides = array<i32>} : memref<2x5120xi32, #tpu.memory_space<vmem>>, vector<16xi32>,
    %add3A_377 = arith.constant 112 : i32
    %add3A_378 = vector.broadcast %add3A_377 : i32 to vector<16xi32>
    %add3A_379 = arith.addi %iota3A, %add3A_378 : vector<16xi32>
    %lt3A_380 = vector.broadcast %multiple_of3A : i32 to vector<16xi32>
    %lt3A_381 = arith.cmpi slt, %add3A_379, %lt3A_380 : vector<16xi32>
    %select_n3A_382 = arith.select %lt3A_381, %broadcast_in_dim3A_39, %get3A_376 : vector<16xi1>, vector<16xi32>
    %swap3A_383 = arith.constant 1 : i32
    %swap3A_384 = arith.index_cast %swap3A_383 : i32 to index
    %swap3A_385 = arith.constant 112 : index
    %swap3A_386 = tpu.vector_load %arg11[%swap3A_384, %swap3A_385] {strides = array<i32>} : memref<2x5120xi32, #tpu.memory_space<vmem>>, vector<16xi32>,
    tpu.vector_store %arg11[%swap3A_384, %swap3A_385], %select_n3A_382 {strides = array<i32>} : memref<2x5120xi32, #tpu.memory_space<vmem>>, vector<16xi32>,
    %get3A_387 = arith.constant 1 : i32
    %get3A_388 = arith.index_cast %get3A_387 : i32 to index
    %get3A_389 = arith.constant 4992 : index
    %get3A_390 = tpu.vector_load %arg11[%get3A_388, %get3A_389] {strides = array<i32>} : memref<2x5120xi32, #tpu.memory_space<vmem>>, vector<16xi32>,
    %add3A_391 = arith.constant 4992 : i32
    %add3A_392 = vector.broadcast %add3A_391 : i32 to vector<16xi32>
    %add3A_393 = arith.addi %iota3A, %add3A_392 : vector<16xi32>
    %add3A_394 = arith.constant 5000 : i32
    %add3A_395 = arith.addi %multiple_of3A, %add3A_394 : i32
    %ge3A_396 = vector.broadcast %add3A_395 : i32 to vector<16xi32>
    %ge3A_397 = arith.cmpi sge, %add3A_393, %ge3A_396 : vector<16xi32>
    %select_n3A_398 = arith.select %ge3A_397, %broadcast_in_dim3A_39, %get3A_390 : vector<16xi1>, vector<16xi32>
    %swap3A_399 = arith.constant 1 : i32
    %swap3A_400 = arith.index_cast %swap3A_399 : i32 to index
    %swap3A_401 = arith.constant 4992 : index
    %swap3A_402 = tpu.vector_load %arg11[%swap3A_400, %swap3A_401] {strides = array<i32>} : memref<2x5120xi32, #tpu.memory_space<vmem>>, vector<16xi32>,
    tpu.vector_store %arg11[%swap3A_400, %swap3A_401], %select_n3A_398 {strides = array<i32>} : memref<2x5120xi32, #tpu.memory_space<vmem>>, vector<16xi32>,
    %get3A_403 = arith.constant 1 : i32
    %get3A_404 = arith.index_cast %get3A_403 : i32 to index
    %get3A_405 = arith.constant 5008 : index
    %get3A_406 = tpu.vector_load %arg11[%get3A_404, %get3A_405] {strides = array<i32>} : memref<2x5120xi32, #tpu.memory_space<vmem>>, vector<16xi32>,
    %add3A_407 = arith.constant 5008 : i32
    %add3A_408 = vector.broadcast %add3A_407 : i32 to vector<16xi32>
    %add3A_409 = arith.addi %iota3A, %add3A_408 : vector<16xi32>
    %add3A_410 = arith.constant 5000 : i32
    %add3A_411 = arith.addi %multiple_of3A, %add3A_410 : i32
    %ge3A_412 = vector.broadcast %add3A_411 : i32 to vector<16xi32>
    %ge3A_413 = arith.cmpi sge, %add3A_409, %ge3A_412 : vector<16xi32>
    %select_n3A_414 = arith.select %ge3A_413, %broadcast_in_dim3A_39, %get3A_406 : vector<16xi1>, vector<16xi32>
    %swap3A_415 = arith.constant 1 : i32
    %swap3A_416 = arith.index_cast %swap3A_415 : i32 to index
    %swap3A_417 = arith.constant 5008 : index
    %swap3A_418 = tpu.vector_load %arg11[%swap3A_416, %swap3A_417] {strides = array<i32>} : memref<2x5120xi32, #tpu.memory_space<vmem>>, vector<16xi32>,
    tpu.vector_store %arg11[%swap3A_416, %swap3A_417], %select_n3A_414 {strides = array<i32>} : memref<2x5120xi32, #tpu.memory_space<vmem>>, vector<16xi32>,
    %get3A_419 = arith.constant 1 : i32
    %get3A_420 = arith.index_cast %get3A_419 : i32 to index
    %get3A_421 = arith.constant 5024 : index
    %get3A_422 = tpu.vector_load %arg11[%get3A_420, %get3A_421] {strides = array<i32>} : memref<2x5120xi32, #tpu.memory_space<vmem>>, vector<16xi32>,
    %add3A_423 = arith.constant 5024 : i32
    %add3A_424 = vector.broadcast %add3A_423 : i32 to vector<16xi32>
    %add3A_425 = arith.addi %iota3A, %add3A_424 : vector<16xi32>
    %add3A_426 = arith.constant 5000 : i32
    %add3A_427 = arith.addi %multiple_of3A, %add3A_426 : i32
    %ge3A_428 = vector.broadcast %add3A_427 : i32 to vector<16xi32>
    %ge3A_429 = arith.cmpi sge, %add3A_425, %ge3A_428 : vector<16xi32>
    %select_n3A_430 = arith.select %ge3A_429, %broadcast_in_dim3A_39, %get3A_422 : vector<16xi1>, vector<16xi32>
    %swap3A_431 = arith.constant 1 : i32
    %swap3A_432 = arith.index_cast %swap3A_431 : i32 to index
    %swap3A_433 = arith.constant 5024 : index
    %swap3A_434 = tpu.vector_load %arg11[%swap3A_432, %swap3A_433] {strides = array<i32>} : memref<2x5120xi32, #tpu.memory_space<vmem>>, vector<16xi32>,
    tpu.vector_store %arg11[%swap3A_432, %swap3A_433], %select_n3A_430 {strides = array<i32>} : memref<2x5120xi32, #tpu.memory_space<vmem>>, vector<16xi32>,
    %get3A_435 = arith.constant 1 : i32
    %get3A_436 = arith.index_cast %get3A_435 : i32 to index
    %get3A_437 = arith.constant 5040 : index
    %get3A_438 = tpu.vector_load %arg11[%get3A_436, %get3A_437] {strides = array<i32>} : memref<2x5120xi32, #tpu.memory_space<vmem>>, vector<16xi32>,
    %add3A_439 = arith.constant 5040 : i32
    %add3A_440 = vector.broadcast %add3A_439 : i32 to vector<16xi32>
    %add3A_441 = arith.addi %iota3A, %add3A_440 : vector<16xi32>
    %add3A_442 = arith.constant 5000 : i32
    %add3A_443 = arith.addi %multiple_of3A, %add3A_442 : i32
    %ge3A_444 = vector.broadcast %add3A_443 : i32 to vector<16xi32>
    %ge3A_445 = arith.cmpi sge, %add3A_441, %ge3A_444 : vector<16xi32>
    %select_n3A_446 = arith.select %ge3A_445, %broadcast_in_dim3A_39, %get3A_438 : vector<16xi1>, vector<16xi32>
    %swap3A_447 = arith.constant 1 : i32
    %swap3A_448 = arith.index_cast %swap3A_447 : i32 to index
    %swap3A_449 = arith.constant 5040 : index
    %swap3A_450 = tpu.vector_load %arg11[%swap3A_448, %swap3A_449] {strides = array<i32>} : memref<2x5120xi32, #tpu.memory_space<vmem>>, vector<16xi32>,
    tpu.vector_store %arg11[%swap3A_448, %swap3A_449], %select_n3A_446 {strides = array<i32>} : memref<2x5120xi32, #tpu.memory_space<vmem>>, vector<16xi32>,
    %get3A_451 = arith.constant 1 : i32
    %get3A_452 = arith.index_cast %get3A_451 : i32 to index
    %get3A_453 = arith.constant 5056 : index
    %get3A_454 = tpu.vector_load %arg11[%get3A_452, %get3A_453] {strides = array<i32>} : memref<2x5120xi32, #tpu.memory_space<vmem>>, vector<16xi32>,
    %add3A_455 = arith.constant 5056 : i32
    %add3A_456 = vector.broadcast %add3A_455 : i32 to vector<16xi32>
    %add3A_457 = arith.addi %iota3A, %add3A_456 : vector<16xi32>
    %add3A_458 = arith.constant 5000 : i32
    %add3A_459 = arith.addi %multiple_of3A, %add3A_458 : i32
    %ge3A_460 = vector.broadcast %add3A_459 : i32 to vector<16xi32>
    %ge3A_461 = arith.cmpi sge, %add3A_457, %ge3A_460 : vector<16xi32>
    %select_n3A_462 = arith.select %ge3A_461, %broadcast_in_dim3A_39, %get3A_454 : vector<16xi1>, vector<16xi32>
    %swap3A_463 = arith.constant 1 : i32
    %swap3A_464 = arith.index_cast %swap3A_463 : i32 to index
    %swap3A_465 = arith.constant 5056 : index
    %swap3A_466 = tpu.vector_load %arg11[%swap3A_464, %swap3A_465] {strides = array<i32>} : memref<2x5120xi32, #tpu.memory_space<vmem>>, vector<16xi32>,
    tpu.vector_store %arg11[%swap3A_464, %swap3A_465], %select_n3A_462 {strides = array<i32>} : memref<2x5120xi32, #tpu.memory_space<vmem>>, vector<16xi32>,
    %get3A_467 = arith.constant 1 : i32
    %get3A_468 = arith.index_cast %get3A_467 : i32 to index
    %get3A_469 = arith.constant 5072 : index
    %get3A_470 = tpu.vector_load %arg11[%get3A_468, %get3A_469] {strides = array<i32>} : memref<2x5120xi32, #tpu.memory_space<vmem>>, vector<16xi32>,
    %add3A_471 = arith.constant 5072 : i32
    %add3A_472 = vector.broadcast %add3A_471 : i32 to vector<16xi32>
    %add3A_473 = arith.addi %iota3A, %add3A_472 : vector<16xi32>
    %add3A_474 = arith.constant 5000 : i32
    %add3A_475 = arith.addi %multiple_of3A, %add3A_474 : i32
    %ge3A_476 = vector.broadcast %add3A_475 : i32 to vector<16xi32>
    %ge3A_477 = arith.cmpi sge, %add3A_473, %ge3A_476 : vector<16xi32>
    %select_n3A_478 = arith.select %ge3A_477, %broadcast_in_dim3A_39, %get3A_470 : vector<16xi1>, vector<16xi32>
    %swap3A_479 = arith.constant 1 : i32
    %swap3A_480 = arith.index_cast %swap3A_479 : i32 to index
    %swap3A_481 = arith.constant 5072 : index
    %swap3A_482 = tpu.vector_load %arg11[%swap3A_480, %swap3A_481] {strides = array<i32>} : memref<2x5120xi32, #tpu.memory_space<vmem>>, vector<16xi32>,
    tpu.vector_store %arg11[%swap3A_480, %swap3A_481], %select_n3A_478 {strides = array<i32>} : memref<2x5120xi32, #tpu.memory_space<vmem>>, vector<16xi32>,
    %get3A_483 = arith.constant 1 : i32
    %get3A_484 = arith.index_cast %get3A_483 : i32 to index
    %get3A_485 = arith.constant 5088 : index
    %get3A_486 = tpu.vector_load %arg11[%get3A_484, %get3A_485] {strides = array<i32>} : memref<2x5120xi32, #tpu.memory_space<vmem>>, vector<16xi32>,
    %add3A_487 = arith.constant 5088 : i32
    %add3A_488 = vector.broadcast %add3A_487 : i32 to vector<16xi32>
    %add3A_489 = arith.addi %iota3A, %add3A_488 : vector<16xi32>
    %add3A_490 = arith.constant 5000 : i32
    %add3A_491 = arith.addi %multiple_of3A, %add3A_490 : i32
    %ge3A_492 = vector.broadcast %add3A_491 : i32 to vector<16xi32>
    %ge3A_493 = arith.cmpi sge, %add3A_489, %ge3A_492 : vector<16xi32>
    %select_n3A_494 = arith.select %ge3A_493, %broadcast_in_dim3A_39, %get3A_486 : vector<16xi1>, vector<16xi32>
    %swap3A_495 = arith.constant 1 : i32
    %swap3A_496 = arith.index_cast %swap3A_495 : i32 to index
    %swap3A_497 = arith.constant 5088 : index
    %swap3A_498 = tpu.vector_load %arg11[%swap3A_496, %swap3A_497] {strides = array<i32>} : memref<2x5120xi32, #tpu.memory_space<vmem>>, vector<16xi32>,
    tpu.vector_store %arg11[%swap3A_496, %swap3A_497], %select_n3A_494 {strides = array<i32>} : memref<2x5120xi32, #tpu.memory_space<vmem>>, vector<16xi32>,
    %get3A_499 = arith.constant 1 : i32
    %get3A_500 = arith.index_cast %get3A_499 : i32 to index
    %get3A_501 = arith.constant 5104 : index
    %get3A_502 = tpu.vector_load %arg11[%get3A_500, %get3A_501] {strides = array<i32>} : memref<2x5120xi32, #tpu.memory_space<vmem>>, vector<16xi32>,
    %add3A_503 = arith.constant 5104 : i32
    %add3A_504 = vector.broadcast %add3A_503 : i32 to vector<16xi32>
    %add3A_505 = arith.addi %iota3A, %add3A_504 : vector<16xi32>
    %add3A_506 = arith.constant 5000 : i32
    %add3A_507 = arith.addi %multiple_of3A, %add3A_506 : i32
    %ge3A_508 = vector.broadcast %add3A_507 : i32 to vector<16xi32>
    %ge3A_509 = arith.cmpi sge, %add3A_505, %ge3A_508 : vector<16xi32>
    %select_n3A_510 = arith.select %ge3A_509, %broadcast_in_dim3A_39, %get3A_502 : vector<16xi1>, vector<16xi32>
    %swap3A_511 = arith.constant 1 : i32
    %swap3A_512 = arith.index_cast %swap3A_511 : i32 to index
    %swap3A_513 = arith.constant 5104 : index
    %swap3A_514 = tpu.vector_load %arg11[%swap3A_512, %swap3A_513] {strides = array<i32>} : memref<2x5120xi32, #tpu.memory_space<vmem>>, vector<16xi32>,
    tpu.vector_store %arg11[%swap3A_512, %swap3A_513], %select_n3A_510 {strides = array<i32>} : memref<2x5120xi32, #tpu.memory_space<vmem>>, vector<16xi32>,
    %parallel_loop3A_515 = arith.constant 0 : i32
    %parallel_loop3A_516 = arith.constant 320 : i32
    %parallel_loop3A_517 = arith.constant 1 : i32
    scf.for %parallel_loop3A_518 = %parallel_loop3A_515 to %parallel_loop3A_516 step %parallel_loop3A_517  : i32 {
      %parallel_loop3A_519 = arith.constant 16 : i32
      %parallel_loop3A_520 = arith.muli %parallel_loop3A_518, %parallel_loop3A_519 : i32
      %parallel_loop3A_521 = arith.constant 0 : i32
      %parallel_loop3A_522 = arith.index_cast %parallel_loop3A_521 : i32 to index
      %parallel_loop3A_523 = arith.index_cast %parallel_loop3A_520 : i32 to index
      %parallel_loop3A_524 = tpu.vector_load %arg11[%parallel_loop3A_522, %parallel_loop3A_523] {strides = array<i32>} : memref<2x5120xi32, #tpu.memory_space<vmem>>, vector<16xi32>,
      %parallel_loop3A_525 = arith.constant 1 : i32
      %parallel_loop3A_526 = arith.index_cast %parallel_loop3A_525 : i32 to index
      %parallel_loop3A_527 = arith.index_cast %parallel_loop3A_520 : i32 to index
      %parallel_loop3A_528 = tpu.vector_load %arg11[%parallel_loop3A_526, %parallel_loop3A_527] {strides = array<i32>} : memref<2x5120xi32, #tpu.memory_space<vmem>>, vector<16xi32>,
      %parallel_loop3A_529 = tpu.vector_load_idx %arg9[%parallel_loop3A_524] : memref<10000xf32, #tpu.memory_space<vmem>>[vector<16xi32>], vector<16xf32>,
      %parallel_loop3A_530 = tpu.vector_load_idx %arg10[%parallel_loop3A_524] : memref<10000xf32, #tpu.memory_space<vmem>>[vector<16xi32>], vector<16xf32>,
      %parallel_loop3A_531 = tpu.vector_load_idx %arg9[%parallel_loop3A_528] : memref<10000xf32, #tpu.memory_space<vmem>>[vector<16xi32>], vector<16xf32>,
      %parallel_loop3A_532 = tpu.vector_load_idx %arg10[%parallel_loop3A_528] : memref<10000xf32, #tpu.memory_space<vmem>>[vector<16xi32>], vector<16xf32>,
      %parallel_loop3A_533 = arith.index_cast %parallel_loop3A_520 : i32 to index
      %parallel_loop3A_534 = tpu.vector_load %arg13[%parallel_loop3A_533] {strides = array<i32>} : memref<5120xf32, #tpu.memory_space<vmem>>, vector<16xf32>,
      %parallel_loop3A_535 = arith.constant 9.99999997E-7 : f32
      %parallel_loop3A_536 = vector.broadcast %parallel_loop3A_535 : f32 to vector<16xf32>
      %parallel_loop3A_537 = arith.addf %parallel_loop3A_534, %parallel_loop3A_536 : vector<16xf32>
      %parallel_loop3A_538 = arith.index_cast %parallel_loop3A_520 : i32 to index
      %parallel_loop3A_539 = tpu.vector_load %arg14[%parallel_loop3A_538] {strides = array<i32>} : memref<5120xf32, #tpu.memory_space<vmem>>, vector<16xf32>,
      %parallel_loop3A_540 = arith.subf %parallel_loop3A_529, %parallel_loop3A_531 : vector<16xf32>
      %parallel_loop3A_541 = arith.subf %parallel_loop3A_530, %parallel_loop3A_532 : vector<16xf32>
      %parallel_loop3A_542 = arith.mulf %parallel_loop3A_540, %parallel_loop3A_540 : vector<16xf32>
      %parallel_loop3A_543 = arith.mulf %parallel_loop3A_541, %parallel_loop3A_541 : vector<16xf32>
      %parallel_loop3A_544 = arith.addf %parallel_loop3A_542, %parallel_loop3A_543 : vector<16xf32>
      %parallel_loop3A_545 = arith.mulf %parallel_loop3A_537, %parallel_loop3A_537 : vector<16xf32>
      %parallel_loop3A_546 = arith.mulf %parallel_loop3A_539, %parallel_loop3A_539 : vector<16xf32>
      %parallel_loop3A_547 = arith.addf %parallel_loop3A_545, %parallel_loop3A_546 : vector<16xf32>
      %parallel_loop3A_548 = arith.divf %parallel_loop3A_544, %parallel_loop3A_547 : vector<16xf32>
      %parallel_loop3A_549 = vector.bitcast %parallel_loop3A_548 : vector<16xf32> to vector<16xi32>
      %parallel_loop3A_550 = arith.constant 1 : i32
      %parallel_loop3A_551 = vector.broadcast %parallel_loop3A_550 : i32 to vector<16xi32>
      %parallel_loop3A_552 = arith.shrsi %parallel_loop3A_549, %parallel_loop3A_551 : vector<16xi32>
      %parallel_loop3A_553 = arith.constant 1597463007 : i32
      %parallel_loop3A_554 = vector.broadcast %parallel_loop3A_553 : i32 to vector<16xi32>
      %parallel_loop3A_555 = arith.subi %parallel_loop3A_554, %parallel_loop3A_552 : vector<16xi32>
      %parallel_loop3A_556 = vector.bitcast %parallel_loop3A_555 : vector<16xi32> to vector<16xf32>
      %parallel_loop3A_557 = arith.constant 5.000000e-01 : f32
      %parallel_loop3A_558 = vector.broadcast %parallel_loop3A_557 : f32 to vector<16xf32>
      %parallel_loop3A_559 = arith.mulf %parallel_loop3A_558, %parallel_loop3A_548 : vector<16xf32>
      %parallel_loop3A_560 = arith.mulf %parallel_loop3A_559, %parallel_loop3A_556 : vector<16xf32>
      %parallel_loop3A_561 = arith.mulf %parallel_loop3A_560, %parallel_loop3A_556 : vector<16xf32>
      %parallel_loop3A_562 = arith.constant 1.500000e+00 : f32
      %parallel_loop3A_563 = vector.broadcast %parallel_loop3A_562 : f32 to vector<16xf32>
      %parallel_loop3A_564 = arith.subf %parallel_loop3A_563, %parallel_loop3A_561 : vector<16xf32>
      %parallel_loop3A_565 = arith.mulf %parallel_loop3A_556, %parallel_loop3A_564 : vector<16xf32>
      %parallel_loop3A_566 = arith.mulf %parallel_loop3A_559, %parallel_loop3A_565 : vector<16xf32>
      %parallel_loop3A_567 = arith.mulf %parallel_loop3A_566, %parallel_loop3A_565 : vector<16xf32>
      %parallel_loop3A_568 = arith.constant 1.500000e+00 : f32
      %parallel_loop3A_569 = vector.broadcast %parallel_loop3A_568 : f32 to vector<16xf32>
      %parallel_loop3A_570 = arith.subf %parallel_loop3A_569, %parallel_loop3A_567 : vector<16xf32>
      %parallel_loop3A_571 = arith.mulf %parallel_loop3A_565, %parallel_loop3A_570 : vector<16xf32>
      %parallel_loop3A_572 = arith.mulf %parallel_loop3A_559, %parallel_loop3A_571 : vector<16xf32>
      %parallel_loop3A_573 = arith.mulf %parallel_loop3A_572, %parallel_loop3A_571 : vector<16xf32>
      %parallel_loop3A_574 = arith.constant 1.500000e+00 : f32
      %parallel_loop3A_575 = vector.broadcast %parallel_loop3A_574 : f32 to vector<16xf32>
      %parallel_loop3A_576 = arith.subf %parallel_loop3A_575, %parallel_loop3A_573 : vector<16xf32>
      %parallel_loop3A_577 = arith.mulf %parallel_loop3A_571, %parallel_loop3A_576 : vector<16xf32>
      %parallel_loop3A_578 = arith.index_cast %parallel_loop3A_520 : i32 to index
      %parallel_loop3A_579 = tpu.vector_load %arg12[%parallel_loop3A_578] {strides = array<i32>} : memref<5120xf32, #tpu.memory_space<vmem>>, vector<16xf32>,
      %parallel_loop3A_580 = arith.mulf %parallel_loop3A_579, %parallel_loop3A_548 : vector<16xf32>
      %parallel_loop3A_581 = arith.mulf %parallel_loop3A_580, %parallel_loop3A_577 : vector<16xf32>
      %parallel_loop3A_582 = arith.constant 0.000000e+00 : f32
      %parallel_loop3A_583 = vector.broadcast %parallel_loop3A_582 : f32 to vector<16xf32>
      %parallel_loop3A_584 = arith.cmpf ogt, %parallel_loop3A_544, %parallel_loop3A_583 : vector<16xf32>
      %parallel_loop3A_585 = arith.constant 0.000000e+00 : f32
      %parallel_loop3A_586 = vector.broadcast %parallel_loop3A_585 : f32 to vector<16xf32>
      %parallel_loop3A_587 = arith.select %parallel_loop3A_584, %parallel_loop3A_581, %parallel_loop3A_586 : vector<16xi1>, vector<16xf32>
      %parallel_loop3A_588 = arith.constant 0.000000e+00 : f32
      %parallel_loop3A_589 = vector.broadcast %parallel_loop3A_588 : f32 to vector<16xf32>
      %parallel_loop3A_590 = arith.subf %parallel_loop3A_589, %parallel_loop3A_587 : vector<16xf32>
      tpu.vector_store_idx %arg15[%parallel_loop3A_524], %parallel_loop3A_590 {add = true} : memref<10240xf32, #tpu.memory_space<vmem>>[vector<16xi32>], vector<16xf32>,
      tpu.vector_store_idx %arg15[%parallel_loop3A_528], %parallel_loop3A_587 {add = true} : memref<10240xf32, #tpu.memory_space<vmem>>[vector<16xi32>], vector<16xf32>,
    } {sc.loop_unroll_factor = 4 : i64, sc.parallel_access}
    "tpu.region"() ({
      %run_scoped3A = tpu.sem_alloc : memref<!tpu.dma_semaphore, #tpu.memory_space<semaphore_mem>>
      %dma_start3A_518 = arith.constant 0 : i32
      %dma_start3A_519 = tpu.memref_slice %arg8[%add3A, %dma_start3A_518] : memref<32x10240xf32, #tpu.memory_space<hbm>> -> memref<1x10240xf32, #tpu.memory_space<hbm>>
      %dma_start3A_520 = tpu.memref_squeeze %dma_start3A_519 : memref<1x10240xf32, #tpu.memory_space<hbm>> -> memref<10240xf32, #tpu.memory_space<hbm>>
      %dma_start3A_521 = arith.constant 0 : i32
      %dma_start3A_522 = tpu.memref_slice %arg8[%add3A, %dma_start3A_521] : memref<32x10240xf32, #tpu.memory_space<hbm>> -> memref<1x10240xf32, #tpu.memory_space<hbm>>
      %dma_start3A_523 = tpu.memref_squeeze %dma_start3A_522 : memref<1x10240xf32, #tpu.memory_space<hbm>> -> memref<10240xf32, #tpu.memory_space<hbm>>
      tpu.enqueue_dma source(%arg15 : memref<10240xf32, #tpu.memory_space<vmem>>) target(%dma_start3A_523 : memref<10240xf32, #tpu.memory_space<hbm>>) target_semaphore(%run_scoped3A : memref<!tpu.dma_semaphore, #tpu.memory_space<semaphore_mem>>)
      %dma_wait3A_524 = arith.constant 0 : i32
      %dma_wait3A_525 = tpu.memref_slice %arg8[%add3A, %dma_wait3A_524] : memref<32x10240xf32, #tpu.memory_space<hbm>> -> memref<1x10240xf32, #tpu.memory_space<hbm>>
      %dma_wait3A_526 = tpu.memref_squeeze %dma_wait3A_525 : memref<1x10240xf32, #tpu.memory_space<hbm>> -> memref<10240xf32, #tpu.memory_space<hbm>>
      %dma_wait3A_527 = arith.constant 0 : i32
      %dma_wait3A_528 = tpu.memref_slice %arg8[%add3A, %dma_wait3A_527] : memref<32x10240xf32, #tpu.memory_space<hbm>> -> memref<1x10240xf32, #tpu.memory_space<hbm>>
      %dma_wait3A_529 = tpu.memref_squeeze %dma_wait3A_528 : memref<1x10240xf32, #tpu.memory_space<hbm>> -> memref<10240xf32, #tpu.memory_space<hbm>>
      tpu.wait_dma2 semaphore(%run_scoped3A : memref<!tpu.dma_semaphore, #tpu.memory_space<semaphore_mem>>) src(%arg15 : memref<10240xf32, #tpu.memory_space<vmem>>) dst(%dma_wait3A_529 : memref<10240xf32, #tpu.memory_space<hbm>>)
      tpu.yield
    }) : () -> ()
    return
  }
}

</mosaic_0001>

<sc_bundles>
// kernel: _sc_scatter.3.cloned.1.call-start
scs
__scs_entry_jumppad:
0x0: {  	(pc) =	sbr.rel $0x88, $3  }
0x1: {  	(tag) =	ssettag $0x0;
	lr =	simm.s32 $0x1  }
0x2: {  	[smem:$0x3F9B] =	sst lr;
	_ =	strace $0xD0000000  }
0x3: {  	_ = 	snop  }
0x4: {  	_ = 	snop  }
0x5: {  	_ = 	snop  }
0x6: {  	_ = 	snop  }
0x7: {  	_ = 	snop  }
__scs_overlays_trampoline_lowered:
0x8: {  	[smem:$0x3FAA] =	sst s0  }
0x9: {  	[smem:$0x3FAB] =	sst s1  }
0xa: {  	[smem:$0x3FAC] =	sst s2  }
0xb: {  	[smem:$0x3FAD] =	sst s3  }
0xc: {  	[smem:$0x3FAE] =	sst s4  }
0xd: {  	[smem:$0x3FAF] =	sst s5  }
0xe: {  	[smem:$0x3FB0] =	sst s6  }
0xf: {  	[smem:$0x3FB1] =	sst s7  }
0x10: {  	[smem:$0x3FB2] =	sst s8  }
0x11: {  	[smem:$0x3FB3] =	sst s9;
	s0 =	simm.s32 @!p0 $0x0  }
0x12: {  	s1 =	sld [smem:$0x3F99];
	s0 =	simm.s32 @p0 $0x1  }
0x13: {  	[smem:$0x3FB4] =	sst s0;
	s0 =	simm.s32 @!p1 $0x0  }
0x14: {  	s2 =	sld [smem:$0x3F98];
	s0 =	simm.s32 @p1 $0x1  }
0x15: {  	[smem:$0x3FB5] =	sst s0;
	s0 =	simm.s32 @!p2 $0x0  }
0x16: {  	s3 =	sld [smem:$0x3FDB];
	s0 =	simm.s32 @p2 $0x1  }
0x17: {  	s4 =	simm.s32 $0x1BF5;
	[smem:$0x3FB7] =	sst s0  }
0x18: {  	s0 =	sld [smem:$0x3F9A];
	_ =	swait.ge [sflag:s4], $0x0  }
0x19: {  	s7 =	sld [smem:$0x3F9B]  }
0x1a: {  	s8 =	sadd.s32 $0xFFFFE003, lr  }
0x1b: {  	s9 =	sadd.s32 $0xFFFFFEF7, lr;
	s5 =	simm.s32 $0xFFFFFFFF;
	p2 =	slt.u32 s8, $0xFFFFF086  }
0x1c: {  	p1 =	slt.u32 s9, $0xF7A;
	s5 =	simm.s32 @!p2 $0x0  }
0x1d: {  	s5 =	simm.s32 @p1 $0x1;
	p0 =	seq.s32 s7, s2  }
0x1e: {  	s7 =	smul.u32 @!p0 $0xF7A, s2;
	p2 =	seq.s32 @!p0 s5, $0x0  }
0x1f: {  	s9 =	smul.u32 $0xF7A, s1;
	s8 =	simm.s32 @!p0 $0x1BF5;
	p2 =	por !p2, p0  }
0x20: {  	[sflag:s8] =	ssyncset.s32 @!p0 $0xFFFFF086;
	s6 =	sadd.s32 @!p0 s3, s7;
	s7 =	simm.s32 @!p0 $0x108  }
0x21: {  	s3 =	sadd.s32 s3, s9;
	s6 =	sadd.s32 @!p0 $0x88, s6;
	s7 =	simm.s32 @p2 $0x1082  }
0x22: {  	[simem:s7], [sflag:s8] =	dma.local @!p0 [hbm:s6], $0xF7A  }
0x23: {  	s9 =	sor.u32 $0xD0000000, s2;
	s6 =	simm.s32 $0x108;
	_ =	swait.ge @!p0 [sflag:s8], $0x0  }
0x24: {  	s3 =	sadd.s32 $0x88, s3;
	s6 =	simm.s32 @!p1 $0x1082;
	[sflag:s4] =	ssyncset.s32 $0xFFFFF086  }
0x25: {  	[simem:s6], [sflag:s4] =	dma.local [hbm:s3], $0xF7A  }
0x26: {  	[smem:$0x3F9B] =	sst s1;
	(tag) =	ssettag s2;
	_ =	strace s9  }
0x27: {  	s1 =	sld [smem:$0x3FAB]  }
0x28: {  	s2 =	sld [smem:$0x3FAC]  }
0x29: {  	s4 =	sld [smem:$0x3FAE]  }
0x2a: {  	p0 =	seq.s32 s5, $0x0;
	s5 =	sld [smem:$0x3FAF]  }
0x2b: {  	s6 =	sld [smem:$0x3FB0]  }
0x2c: {  	s7 =	sld [smem:$0x3FB1]  }
0x2d: {  	s3 =	simm.s32 $0x108;
	s8 =	sld [smem:$0x3FB2]  }
0x2e: {  	s3 =	simm.s32 @!p0 $0x1082;
	s9 =	sld [smem:$0x3FB3]  }
0x2f: {  	lr =	sadd.s32 s0, s3;
	s0 =	sld [smem:$0x3FAA]  }
0x30: {  	s3 =	sld [smem:$0x3FAD]  }
0x31: {  	[smem:$0x3FB6] =	sst s10  }
0x32: {  	s10 =	sld [smem:$0x3FB4];
	_ =	sdelay $0x3  }
0x33: {  	p0 =	seq.s32 s10, $0x1;
	s10 =	sld [smem:$0x3FB6];
	_ =	sdelay $0x3  }
0x34: {  	[smem:$0x3FB6] =	sst s10  }
0x35: {  	s10 =	sld [smem:$0x3FB5];
	_ =	sdelay $0x3  }
0x36: {  	p1 =	seq.s32 s10, $0x1;
	s10 =	sld [smem:$0x3FB6];
	_ =	sdelay $0x3  }
0x37: {  	[smem:$0x3FB6] =	sst s10  }
0x38: {  	s10 =	sld [smem:$0x3FB7]  }
0x39: {  	_ = 	snop;
	(pc) =	sbr.ind lr, $3  }
0x3a: {  	_ = 	snop  }
0x3b: {  	_ = 	snop  }
0x3c: {  	p2 =	seq.s32 s10, $0x1;
	s10 =	sld [smem:$0x3FB6]  }
0x3d: {  	_ =	shalt  }
0x3e: {  	_ =	shalt  }
0x3f: {  	_ =	shalt  }
0x40: {  	_ =	shalt  }
0x41: {  	_ =	shalt  }
0x42: {  	_ =	shalt  }
0x43: {  	_ =	shalt  }
0x44: {  	_ =	shalt  }
0x45: {  	_ =	shalt  }
0x46: {  	_ =	shalt  }
0x47: {  	_ =	shalt  }
0x48: {  	_ =	shalt  }
0x49: {  	_ =	shalt  }
0x4a: {  	_ =	shalt  }
0x4b: {  	_ =	shalt  }
0x4c: {  	_ =	shalt  }
0x4d: {  	_ =	shalt  }
0x4e: {  	_ =	shalt  }
0x4f: {  	_ =	shalt  }
0x50: {  	_ =	shalt  }
0x51: {  	_ =	shalt  }
0x52: {  	_ =	shalt  }
0x53: {  	_ =	shalt  }
0x54: {  	_ =	shalt  }
0x55: {  	_ =	shalt  }
0x56: {  	_ =	shalt  }
0x57: {  	_ =	shalt  }
0x58: {  	_ =	shalt  }
0x59: {  	_ =	shalt  }
0x5a: {  	_ =	shalt  }
0x5b: {  	_ =	shalt  }
0x5c: {  	_ =	shalt  }
0x5d: {  	_ =	shalt  }
0x5e: {  	_ =	shalt  }
0x5f: {  	_ =	shalt  }
0x60: {  	_ =	shalt  }
0x61: {  	_ =	shalt  }
0x62: {  	_ =	shalt  }
0x63: {  	_ =	shalt  }
0x64: {  	_ =	shalt  }
0x65: {  	_ =	shalt  }
0x66: {  	_ =	shalt  }
0x67: {  	_ =	shalt  }
0x68: {  	_ =	shalt  }
0x69: {  	_ =	shalt  }
0x6a: {  	_ =	shalt  }
0x6b: {  	_ =	shalt  }
0x6c: {  	_ =	shalt  }
0x6d: {  	_ =	shalt  }
0x6e: {  	_ =	shalt  }
0x6f: {  	_ =	shalt  }
0x70: {  	_ =	shalt  }
0x71: {  	_ =	shalt  }
0x72: {  	_ =	shalt  }
0x73: {  	_ =	shalt  }
0x74: {  	_ =	shalt  }
0x75: {  	_ =	shalt  }
0x76: {  	_ =	shalt  }
0x77: {  	_ =	shalt  }
0x78: {  	_ =	shalt  }
0x79: {  	_ =	shalt  }
0x7a: {  	_ =	shalt  }
0x7b: {  	_ =	shalt  }
0x7c: {  	_ =	shalt  }
0x7d: {  	_ =	shalt  }
0x7e: {  	_ =	shalt  }
0x7f: {  	_ =	shalt  }
0x80: {  	_ =	shalt  }
0x81: {  	_ =	shalt  }
0x82: {  	_ =	shalt  }
0x83: {  	_ =	shalt  }
0x84: {  	_ =	shalt  }
0x85: {  	_ =	shalt  }
0x86: {  	_ =	shalt  }
0x87: {  	_ =	shalt  }
.Lfunc_end0:
.L_simem_size_0:
called_computation_lowered:
.L_overlay_start_0:
0x88: {  	s2 =	sld [smem:$0x3FD9]  }
0x89: {  	s3 =	sld [smem:$0x3FFE];
	_ =	sdelay $0x1  }
0x8a: {  	s1 =	srdreg.scid  }
0x8b: {  	s0 =	sand.u32 $0x1, s1  }
0x8c: {  	s18 =	sshll.u32 s0, $0xA;
	s2 =	sadd.s32 s3, s2  }
0x8d: {  	s2 =	sadd.s32 s2, s18  }
0x8e: {  	[smem:$0x3FC2] =	sst s2  }
0x8f: {  	_ = 	snop  }
0x90: {  	s2 =	sld [smem:$0x3FC9]  }
0x91: {  	s19 =	sld [smem:$0x3FC8]  }
0x92: {  	s4 =	sld [smem:$0x3FC7]  }
0x93: {  	s5 =	sld [smem:$0x3FC6]  }
0x94: {  	s6 =	sld [smem:$0x3FC5]  }
0x95: {  	s7 =	sld [smem:$0x3FC4]  }
0x96: {  	s8 =	sld [smem:$0x3FD0];
	(tm) =	ssettm $0x1  }
0x97: {  	s9 =	sld [smem:$0x3FFB];
	_ =	sdelay $0x3  }
0x98: {  	_ =	strace s9  }
0x99: {  	s9 =	sld [smem:$0x3FFC];
	_ =	sdelay $0x3  }
0x9a: {  	_ =	strace s9  }
0x9b: {  	s9 =	sld [smem:$0x3FFD];
	_ =	sdelay $0x3  }
0x9c: {  	_ =	strace s9  }
0x9d: {  	_ =	strace $0x8FFFFFFF  }
0x9e: {  	s20 =	sld [smem:$0x3FDB];
	_ =	sdelay $0x1  }
0x9f: {  	s10 =	simm.s32 $_scs_section_size  }
0xa0: {  	s11 =	simm.s32 $_size__tile_overlayer_lowered;
	s12 =	simm.s32 $_tile_overlayer_lowered  }
0xa1: {  	s23 =	simm.s32 $0x1BFF;
	s22 =	sshll.u32 s12, $0x1;
	s9 =	sadd.s32 s10, s20  }
0xa2: {  	s13 =	simm.s32 $0x0;
	s21 =	sshll.u32 s11, $0x1;
	s11 =	sadd.s32 s22, s9  }
0xa3: {  	[timem:s13], [sflag:s23] =	dma.local [hbm:s11], s21  }
0xa4: {  	_ =	swait.ge [sflag:s23], s21  }
0xa5: {  	s10 =	ssub.s32 $0x0, s21;
	[sflag:s23] =	ssyncset.done $0x0  }
0xa6: {  	[sflag:s23] =	ssyncadd.s32 s10;
	_ =	sdelay $0x1  }
0xa7: {  	s24 =	simm.s32 $0x1B8B  }
0xa8: {  	_ =	swait.ge [sflag:s24], $0x1  }
0xa9: {  	[sflag:s24] =	ssyncset.done $0x0  }
0xaa: {  	s25 =	simm.s32 $0x1B8E;
	[sflag:s24] =	ssyncadd.s32 $0xFFFFFFFF  }
0xab: {  	s26 =	simm.s32 $execute0_lowered;
	[smem:$0x3FD2] =	sst s25  }
0xac: {  	s10 =	sshll.u32 s26, $0x1;
	_ =	strace $0x80000046;
	[dreg:$0x1] =	wrdreg $0xFFFFFFFF  }
0xad: {  	s28 =	simm.s32 $_size_execute0_lowered;
	s9 =	sadd.s32 s9, s10;
	[dreg:$0x0] =	wrdreg $0x0  }
0xae: {  	s10 =	sshll.u32 s28, $0x1;
	[dreg:$0x2] =	wrdreg s9  }
0xaf: {  	[dreg:$0x3] =	wrdreg s10  }
0xb0: {  	[dreg:$0x4] =	wrdreg $0xC0  }
0xb1: {  	_ =	task [dreg:s13], $0x5FFFF  }
0xb2: {  	[dreg:$0x1] =	wrdreg $0xFFFFFFFF  }
0xb3: {  	[dreg:$0x0] =	wrdreg $0x60  }
0xb4: {  	[dreg:$0x2] =	wrdreg s2  }
0xb5: {  	[dreg:$0x3] =	wrdreg s19  }
0xb6: {  	[dreg:$0x4] =	wrdreg s4  }
0xb7: {  	[dreg:$0x5] =	wrdreg s5  }
0xb8: {  	[dreg:$0x6] =	wrdreg s6  }
0xb9: {  	[dreg:$0x7] =	wrdreg s7  }
0xba: {  	[dreg:$0x8] =	wrdreg s8  }
0xbb: {  	[dreg:$0x9] =	wrdreg $0x9  }
0xbc: {  	_ =	task.clear_ibuf [dreg:s13], $0xAFFFF;
	_ =	strace $0x90000046  }
0xbd: {  	s29 =	simm.s32 $0x9;
	_ =	strace $0x80000048  }
0xbe: {  	_ =	swait.ge [sflag:s29], $0x1  }
0xbf: {  	[sflag:s29] =	ssyncadd.s32 $0xFFFFFFFF  }
0xc0: {  	_ =	strace $0x90000048  }
0xc1: {  	_ =	sfence  }
0xc2: {  	s30 =	sld [smem:$0x0];
	_ =	sdelay $0x2  }
0xc3: {  	s31 =	sshll.u32 s1, $0xD;
	s1 =	sshrl.u32 s1, $0x2  }
0xc4: {  	s3 =	sand.u32 $0x4000, s31;
	s1 =	sadd.s32 s1, s30  }
0xc5: {  	s0 =	sor.u32 s3, s0;
	s1 =	sshll.u32 s1, $0x11  }
0xc6: {  	s0 =	sor.u32 s1, s0  }
0xc7: {  	s0 =	sadd.s32 $0x8F2B, s0  }
0xc8: {  	[sflag:s0] =	ssyncadd.remote.s32 $0x1  }
0xc9: {  	_ =	sfence.sel $0xFFFF  }
0xca: {  	[dreg:$0x0] =	wrdreg $0xFFFFFFFF;
	(pc) =	sbr.abs _section_cstart, $3  }
0xcb: {  	[dreg:$0x1] =	wrdreg $0xFFFFFFFF  }
0xcc: {  	_ =	task.clear_ibuf [dreg:s13], $0x2FFFF;
	_ =	strace $0x9FFFFFFF  }
0xcd: {  	(tm) =	ssettm $0x7FFFFFFF  }
tec
execute0_lowered:
.L_overlay_start_1:
0x0: {  	(tag) =	ssettag $0x1  }
0x1: {  	s3 =	srdreg.scid;
	s0 =	stileid.u32  }
0x2: {  	s3 =	sand.u32 $0x1, s3;
	s4 =	sshll.u32 s0, $0x1  }
0x3: {  	s6 =	sor.u32 s3, s4  }
0x4: {  	s8 =	smul.u32 $0x1388, s6;
	_ =	sdelay $0x1  }
0x5: {  	s10 =	sand.u32 $0x78, s8  }
0x6: {  	v2 =	vlaneseq.u32;
	s13 =	sadd.s32 $0x1388, s10  }
0x7: {  	v3 =	vadd.s32 $0x13F1, v2;
	v0 =	vmov s13  }
0x8: {  	vm0 =	vlt.u32 v0, v3;
	v3 =	vimm.s32 $0x0  }
0x9: {  	v4 =	vadd.s32 $0x13E1, v2;
	v3 =	vsel vm0, $0xFFFFFFFF, v3  }
0xa: {  	s5 =	rddreg [dreg:$0x2];
	vm0 =	vlt.u32 v0, v4;
	[tilespmem:$0x1FFC0] =	vst v3;
	v3 =	vimm.s32 $0x0  }
0xb: {  	s7 =	rddreg [dreg:$0x3];
	v3 =	vsel vm0, $0xFFFFFFFF, v3  }
0xc: {  	s9 =	rddreg [dreg:$0x4];
	[tilespmem:$0x1FFD0] =	vst v3;
	v3 =	vadd.s32 $0x13D1, v2  }
0xd: {  	s11 =	rddreg [dreg:$0x5];
	s4 =	simm.s32 $0x0;
	vm0 =	vlt.u32 v0, v3;
	v3 =	vimm.s32 $0x0  }
0xe: {  	[smem:$0x7FF] =	sst s4;
	v3 =	vsel vm0, $0xFFFFFFFF, v3  }
0xf: {  	s12 =	rddreg [dreg:$0x6];
	_ =	strace $0x80000047;
	[tilespmem:$0x1FFE0] =	vst v3;
	v3 =	vadd.s32 $0x13C1, v2  }
0x10: {  	vm0 =	vlt.u32 v0, v3;
	v3 =	vimm.s32 $0x0  }
0x11: {  	s16 =	simm.s32 $0x1;
	s17 =	simm.s32 $0xB300;
	s19 =	simm.s32 $0x400;
	v60 =	vadd.s32 $0x13B1, v2;
	v3 =	vsel vm0, $0xFFFFFFFF, v3  }
0x12: {  	s20 =	simm.s32 $0x2;
	s21 =	simm.s32 $0x0;
	v61 =	vadd.s32 $0x1381, v2;
	v62 =	vor.u32 $0x40, v2;
	s3 =	ssub.s32 $0x2, s3;
	[tilespmem:$0x1FFF0] =	vst v3;
	v3 =	vadd.s32 $0x13A1, v2  }
0x13: {  	v63 =	vor.u32 $0x10, v2;
	s28 =	sshrl.u32 s3, $0x1;
	s14 =	smul.u32 $0x4E2, s6;
	s6 =	sshll.u32 s6, $0x7;
	vm5 =	vlt.u32 v0, v3;
	v3 =	vadd.s32 $0x1391, v2  }
0x14: {  	s29 =	sshrl.u32 s0, $0x2;
	s3 =	ssub.s32 s3, s28;
	s31 =	sand.u32 $0x380, s6;
	v1 =	vmov s10;
	vm6 =	vlt.u32 v0, v3;
	v3 =	vor.u32 $0x70, v2  }
0x15: {  	s14 =	sand.u32 $0xFFE0, s14;
	s30 =	sshrl.u32 s8, $0x3;
	s13 =	smul.u32 $0x14000, s29;
	vm11 =	vgt.u32 v1, v62;
	vm8 =	vgt.u32 v1, v3;
	v3 =	vor.u32 $0x60, v2  }
0x16: {  	s5 =	sadd.s32 s5, s14;
	s6 =	sor.u32 $0x7700, s10;
	s7 =	sadd.s32 s7, s30;
	vm14 =	vgt.u32 v1, v63;
	vm9 =	vgt.u32 v1, v3;
	v3 =	vor.u32 $0x50, v2  }
0x17: {  	s8 =	sor.u32 $0x8B00, s10;
	s9 =	sadd.s32 s9, s30;
	vm15 =	vgt.u32 v1, v2;
	s13 =	sor.u32 s13, s31;
	vm10 =	vgt.u32 v1, v3;
	v3 =	vor.u32 $0x30, v2  }
0x18: {  	s10 =	sor.u32 $0x9F00, s10;
	s11 =	sadd.s32 s11, s30;
	vm4 =	vlt.u32 v0, v60;
	s13 =	sshrl.u32 s13, $0x3;
	vm12 =	vgt.u32 v1, v3;
	v3 =	vor.u32 $0x20, v2  }
0x19: {  	s14 =	simm.s32 $0x2780;
	vm7 =	vlt.u32 v0, v61;
	s12 =	sadd.s32 s12, s13;
	s13 =	smax.u32 s3, $0x1;
	v0 =	vimm.f32 $0.0e+00;
	vm13 =	vgt.u32 v1, v3  }
.LBB2_1:
0x1a: {  	s0 =	rddreg [dreg:$0x0]  }
0x1b: {  	[tilespmem:s4], [sflag:$0x1] =	stream.linear.gather [hbm4b:s0+s4], $0x2780, $0x38;
	[tilespmem:$0xDB00] =	vst v63  }
0x1c: {  	s30 =	rddreg [dreg:$0x1]  }
0x1d: {  	[tilespmem:s14], [sflag:$0x1] =	stream.linear.gather [hbm4b:s30+s4], $0x2780, $0x38;
	[tilespmem:$0xDB00] =	vst v63  }
0x1e: {  	s31 =	simm.s32 $0x4F00  }
0x1f: {  	[tilespmem:s31], [sflag:$0x1] =	stream.linear.gather [hbm4b:s5+s4], $0x2800, $0x38;
	[tilespmem:$0xDB00] =	vst v63  }
0x20: {  	_ = 	snop  }
0x21: {  	[tilespmem:s6], [sflag:$0x1] =	stream.linear.gather [hbm4b:s7+s4], $0x1388, $0x38;
	[tilespmem:$0xDB00] =	vst v63  }
0x22: {  	_ = 	snop  }
0x23: {  	[tilespmem:s8], [sflag:$0x1] =	stream.linear.gather [hbm4b:s9+s4], $0x1388, $0x38;
	[tilespmem:$0xDB00] =	vst v63  }
0x24: {  	s3 =	simm.s32 $0xB320  }
0x25: {  	[tilespmem:s10], [sflag:$0x1] =	stream.linear.gather [hbm4b:s11+s4], $0x1388, $0x38;
	[tilespmem:$0xDB00] =	vst v63  }
0x26: {  	[tilespmem:s3+$0xFFFFFFE0] =	vst v0  }
0x27: {  	[tilespmem:s3+$0x10] =	vst v0  }
0x28: {  	s22 =	simm.s32 $0x0;
	[tilespmem:s3+$0x0] =	vst v0  }
.LBB2_2:
0x29: {  	s22 =	sadd.s32 $0x4, s22  }
0x2a: {  	[tilespmem:s3+$0xFFFFFFF0] =	vst v0;
	s3 =	sadd.s32 $0x40, s3;
	p0 =	slt.u32 s22, $0x27C  }
.Ltmp0:
0x2b: {  	[tilespmem:s3+$0xFFFFFFE0] =	vst v0;
	(pc) =	sbr.rel @p0 .LBB2_2-.Ltmp0, $3  }
0x2c: {  	_ =	sdelay $0x1  }
0x2d: {  	[tilespmem:s3+$0x10] =	vst v0  }
0x2e: {  	[tilespmem:s3+$0x0] =	vst v0  }
0x2f: {  	[tilespmem:s3+$0xFFFFFFF0] =	vst v0  }
0x30: {  	_ =	swait.ge [sflag:s16], $0x2780  }
0x31: {  	[sflag:s16] =	ssyncset.done $0x0  }
0x32: {  	[sflag:s16] =	ssyncadd.s32 $0xFFFFD880  }
0x33: {  	_ =	swait.ge [sflag:s16], $0x2780  }
0x34: {  	[sflag:s16] =	ssyncset.done $0x0  }
0x35: {  	[sflag:s16] =	ssyncadd.s32 $0xFFFFD880  }
0x36: {  	_ =	swait.ge [sflag:s16], $0x2800  }
0x37: {  	[sflag:s16] =	ssyncset.done $0x0  }
0x38: {  	[sflag:s16] =	ssyncadd.s32 $0xFFFFD800  }
0x39: {  	_ =	swait.ge [sflag:s16], $0x1388  }
0x3a: {  	[sflag:s16] =	ssyncset.done $0x0  }
0x3b: {  	[sflag:s16] =	ssyncadd.s32 $0xFFFFEC78  }
0x3c: {  	_ =	swait.ge [sflag:s16], $0x1388  }
0x3d: {  	[sflag:s16] =	ssyncset.done $0x0  }
0x3e: {  	[sflag:s16] =	ssyncadd.s32 $0xFFFFEC78  }
0x3f: {  	_ =	swait.ge [sflag:s16], $0x1388  }
0x40: {  	[sflag:s16] =	ssyncset.done $0x0  }
0x41: {  	[sflag:s16] =	ssyncadd.s32 $0xFFFFEC78  }
0x42: {  	v1 =	vld [tilespmem:$0x4F00]  }
0x43: {  	v2 =	vld [tilespmem:$0x4F10]  }
0x44: {  	v3 =	vld [tilespmem:$0x4F20]  }
0x45: {  	v4 =	vld [tilespmem:$0x4F30]  }
0x46: {  	v5 =	vld [tilespmem:$0x4F40]  }
0x47: {  	v6 =	vld [tilespmem:$0x4F50];
	v1 =	vsel vm15, $0x0, v1  }
0x48: {  	[tilespmem:$0x4F00] =	vst v1;
	v1 =	vsel vm14, $0x0, v2;
	v2 =	vld [tilespmem:$0x4F60]  }
0x49: {  	[tilespmem:$0x4F10] =	vst v1;
	v1 =	vsel vm13, $0x0, v3;
	v3 =	vld [tilespmem:$0x4F70]  }
0x4a: {  	[tilespmem:$0x4F20] =	vst v1;
	v1 =	vsel vm12, $0x0, v4;
	v4 =	vld [tilespmem:$0x7600]  }
0x4b: {  	[tilespmem:$0x4F30] =	vst v1;
	v1 =	vsel vm11, $0x0, v5;
	v5 =	vld [tilespmem:$0x7610]  }
0x4c: {  	[tilespmem:$0x4F40] =	vst v1;
	v1 =	vsel vm10, $0x0, v6;
	v6 =	vld [tilespmem:$0x7620]  }
0x4d: {  	[tilespmem:$0x4F50] =	vst v1;
	v1 =	vsel vm9, $0x0, v2;
	v2 =	vld [tilespmem:$0x7630]  }
0x4e: {  	[tilespmem:$0x4F60] =	vst v1;
	v1 =	vsel vm8, $0x0, v3  }
0x4f: {  	[tilespmem:$0x4F70] =	vst v1;
	v1 =	vsel vm7, $0x0, v4  }
0x50: {  	[tilespmem:$0x7600] =	vst v1;
	v1 =	vsel vm6, $0x0, v5  }
0x51: {  	[tilespmem:$0x7610] =	vst v1;
	v1 =	vsel vm5, $0x0, v6  }
0x52: {  	[tilespmem:$0x7620] =	vst v1;
	v1 =	vsel vm4, $0x0, v2  }
0x53: {  	[tilespmem:$0x7630] =	vst v1;
	v1 =	vld [tilespmem:$0x1FFF0]  }
0x54: {  	v3 =	vld [tilespmem:$0x7640];
	_ =	sdelay $0x3  }
0x55: {  	vm3 =	vnez.u8 v1  }
0x56: {  	v1 =	vsel vm3, $0x0, v3  }
0x57: {  	[tilespmem:$0x7640] =	vst v1;
	v1 =	vld [tilespmem:$0x1FFE0]  }
0x58: {  	v4 =	vld [tilespmem:$0x7650];
	_ =	sdelay $0x3  }
0x59: {  	vm2 =	vnez.u8 v1  }
0x5a: {  	v1 =	vsel vm2, $0x0, v4  }
0x5b: {  	[tilespmem:$0x7650] =	vst v1;
	v1 =	vld [tilespmem:$0x1FFD0]  }
0x5c: {  	v5 =	vld [tilespmem:$0x7660];
	_ =	sdelay $0x3  }
0x5d: {  	vm1 =	vnez.u8 v1  }
0x5e: {  	v1 =	vsel vm1, $0x0, v5  }
0x5f: {  	[tilespmem:$0x7660] =	vst v1;
	v1 =	vld [tilespmem:$0x1FFC0]  }
0x60: {  	v6 =	vld [tilespmem:$0x7670]  }
0x61: {  	v2 =	vld [tilespmem:$0x4F80]  }
0x62: {  	v3 =	vld [tilespmem:$0x4F90]  }
0x63: {  	v4 =	vld [tilespmem:$0x4FA0]  }
0x64: {  	v5 =	vld [tilespmem:$0x4FB0];
	vm0 =	vnez.u8 v1  }
0x65: {  	v1 =	vsel vm0, $0x0, v6;
	v6 =	vld [tilespmem:$0x4FC0]  }
0x66: {  	[tilespmem:$0x7670] =	vst v1;
	v1 =	vsel vm15, $0x0, v2;
	v2 =	vld [tilespmem:$0x4FD0]  }
0x67: {  	[tilespmem:$0x4F80] =	vst v1;
	v1 =	vsel vm14, $0x0, v3;
	v3 =	vld [tilespmem:$0x4FE0]  }
0x68: {  	[tilespmem:$0x4F90] =	vst v1;
	v1 =	vsel vm13, $0x0, v4;
	v4 =	vld [tilespmem:$0x4FF0]  }
0x69: {  	[tilespmem:$0x4FA0] =	vst v1;
	v1 =	vsel vm12, $0x0, v5;
	v5 =	vld [tilespmem:$0x7680]  }
0x6a: {  	[tilespmem:$0x4FB0] =	vst v1;
	v1 =	vsel vm11, $0x0, v6;
	v6 =	vld [tilespmem:$0x7690]  }
0x6b: {  	[tilespmem:$0x4FC0] =	vst v1;
	v1 =	vsel vm10, $0x0, v2;
	v2 =	vld [tilespmem:$0x76A0]  }
0x6c: {  	[tilespmem:$0x4FD0] =	vst v1;
	v1 =	vsel vm9, $0x0, v3;
	v3 =	vld [tilespmem:$0x76B0]  }
0x6d: {  	[tilespmem:$0x4FE0] =	vst v1;
	v1 =	vsel vm8, $0x0, v4;
	v4 =	vld [tilespmem:$0x76C0]  }
0x6e: {  	[tilespmem:$0x4FF0] =	vst v1;
	v1 =	vsel vm7, $0x0, v5;
	v5 =	vld [tilespmem:$0x76D0]  }
0x6f: {  	[tilespmem:$0x7680] =	vst v1;
	v1 =	vsel vm6, $0x0, v6;
	v6 =	vld [tilespmem:$0x76E0]  }
0x70: {  	[tilespmem:$0x7690] =	vst v1;
	v1 =	vsel vm5, $0x0, v2;
	v2 =	vld [tilespmem:$0x76F0]  }
0x71: {  	[tilespmem:$0x76A0] =	vst v1;
	v1 =	vsel vm4, $0x0, v3  }
0x72: {  	[tilespmem:$0x76B0] =	vst v1;
	v1 =	vsel vm3, $0x0, v4  }
0x73: {  	[tilespmem:$0x76C0] =	vst v1;
	v1 =	vsel vm2, $0x0, v5  }
0x74: {  	[tilespmem:$0x76D0] =	vst v1;
	v1 =	vsel vm1, $0x0, v6  }
0x75: {  	s18 =	simm.s32 $0x0;
	[tilespmem:$0x76E0] =	vst v1;
	v1 =	vsel vm0, $0x0, v2  }
0x76: {  	s22 =	simm.s32 $0x9F00;
	s23 =	sand.u32 $0x3F00, s18;
	[tilespmem:$0x76F0] =	vst v1  }
0x77: {  	s24 =	simm.s32 $0x8B00;
	s25 =	sand.u32 $0x40, s18;
	s30 =	sadd.s32 $0x4F00, s23;
	v9 =	vld [tilespmem:s22+$0x0]  }
0x78: {  	s31 =	sor.u32 $0x30, s25;
	s26 =	sor.u32 s25, s30;
	v6 =	vld [tilespmem:s24+$0x0]  }
0x79: {  	s3 =	sand.u32 $0x1F80, s18;
	s28 =	sor.u32 s31, s30;
	v4 =	vld [tilespmem:s26+$0x0]  }
0x7a: {  	s23 =	sor.u32 s3, s31;
	v1 =	vld [tilespmem:s28+$0x80]  }
0x7b: {  	v11 =	vld [tilespmem:s23+$0x8B00]  }
0x7c: {  	v5 =	vld [tilespmem:s28+$0x0]  }
0x7d: {  	s29 =	sor.u32 $0x20, s25;
	v7 =	vld [tilespmem:s26+$0x80]  }
0x7e: {  	s0 =	sor.u32 s29, s30;
	v12 =	vld [tilespmem:s23+$0x9F00]  }
0x7f: {  	v3 =	vld [tilespmem:s0+$0x0]  }
0x80: {  	s1 =	simm.s32 $0x7700;
	v2 =	vld [tilespmem:s0+$0x80]  }
0x81: {  	v26 =	vld [tilespmem:s1+$0x0]  }
0x82: {  	s15 =	simm.s32 $0x9F40;
	v31 =	vld [tilespmem:s23+$0x7700]  }
0x83: {  	s24 =	sor.u32 s3, s29;
	v33 =	vld [tilespmem:s15+$0x0]  }
0x84: {  	s25 =	sor.u32 $0x10, s25;
	v10 =	vld [tilespmem:s24+$0x9F00]  }
0x85: {  	s22 =	sor.u32 s25, s30;
	v13 =	vld [tilespmem:s24+$0x8B00]  }
0x86: {  	s25 =	sor.u32 s3, s25;
	v8 =	vld [tilespmem:s22+$0x0]  }
0x87: {  	s23 =	simm.s32 $0x8B40;
	v18 =	vld [tilespmem:s25+$0x9F00]  }
0x88: {  	v34 =	vld [tilespmem:s23+$0x0];
	v14 =	vadd.f32 $9.999999970e-07, v6  }
0x89: {  	v6 =	vld [tilespmem:s22+$0x80]  }
0x8a: {  	s2 =	simm.s32 $0x80;
	v9 =	vmul.f32 v9, v9;
	v14 =	vmul.f32 v14, v14;
	v15 =	vld.idx.msk [tilespmem:v4+s14+$0x0], $0xffff  }
0x8b: {  	s18 =	simm.s32 $0x40;
	s3 =	sand.u32 $0x3F00, s2;
	v17 =	vld.idx.msk [tilespmem:v4+s4+$0x0], $0xffff  }
0x8c: {  	s28 =	sand.u32 $0x40, s18;
	s29 =	sadd.s32 $0x4F00, s3;
	v9 =	vadd.f32 v9, v14;
	v14 =	vld.idx.msk [tilespmem:v7+s4+$0x0], $0xffff  }
0x8d: {  	s26 =	sand.u32 $0x1F80, s18;
	s30 =	sor.u32 s28, s29;
	s22 =	sor.u32 $0x30, s28;
	v16 =	vld.idx.msk [tilespmem:v7+s14+$0x0], $0xffff  }
0x8e: {  	s0 =	sor.u32 $0x20, s28;
	v36 =	vmul.f32 v10, v10;
	v10 =	vld [tilespmem:s30+$0x0];
	s3 =	sor.u32 s26, s22;
	(erf) = vrcp.f32 v9  }
0x8f: {  	s31 =	sor.u32 s22, s29;
	s22 =	sor.u32 s26, s0;
	v38 =	vld [tilespmem:s3+$0x8B00]  }
0x90: {  	s28 =	sor.u32 $0x10, s28;
	v60 =	vld [tilespmem:s22+$0x9F00]  }
0x91: {  	s26 =	sor.u32 s26, s28;
	v61 =	vld [tilespmem:s3+$0x9F00];
	v14 =	vsub.f32 v17, v14  }
0x92: {  	v62 =	vld [tilespmem:s26+$0x8B00];
	v15 =	vsub.f32 v15, v16  }
0x93: {  	v22 =	vld.idx.msk [tilespmem:v2+s14+$0x0], $0xffff;
	v14 =	vmul.f32 v14, v14  }
0x94: {  	v23 =	vld.idx.msk [tilespmem:v3+s4+$0x0], $0xffff;
	v15 =	vmul.f32 v15, v15  }
0x95: {  	v28 =	vld.idx.msk [tilespmem:v1+s14+$0x0], $0xffff  }
0x96: {  	v9 =	vld [tilespmem:s25+$0x8B00];
	v24 =	vadd.f32 v15, v14  }
0x97: {  	v29 =	vld.idx.msk [tilespmem:v5+s14+$0x0], $0xffff;
	v14 =	vpop (erf)  }
0x98: {  	v32 =	vld.idx.msk [tilespmem:v5+s4+$0x0], $0xffff;
	v27 =	vmul.f32 v14, v24  }
0x99: {  	v35 =	vld.idx.msk [tilespmem:v1+s4+$0x0], $0xffff  }
0x9a: {  	v20 =	vld.idx.msk [tilespmem:v8+s4+$0x0], $0xffff;
	v14 =	vshra.s32 v27, $0x1;
	v30 =	vmul.f32 $5.000000000e-01, v27  }
0x9b: {  	v37 =	vadd.f32 $9.999999970e-07, v9;
	v9 =	vld [tilespmem:s31+$0x80];
	v14 =	vsub.s32 $0x5F3759DF, v14  }
0x9c: {  	v21 =	vld.idx.msk [tilespmem:v8+s14+$0x0], $0xffff;
	v15 =	vmul.f32 v14, v30  }
0x9d: {  	v19 =	vld.idx.msk [tilespmem:v6+s4+$0x0], $0xffff  }
0x9e: {  	v13 =	vadd.f32 $9.999999970e-07, v13;
	v16 =	vld.idx.msk [tilespmem:v3+s14+$0x0], $0xffff;
	v15 =	vmul.f32 v14, v15  }
0x9f: {  	v11 =	vadd.f32 $9.999999970e-07, v11;
	v25 =	vld.idx.msk [tilespmem:v6+s14+$0x0], $0xffff  }
0xa0: {  	v12 =	vmul.f32 v12, v12;
	v13 =	vmul.f32 v13, v13;
	v17 =	vld.idx.msk [tilespmem:v2+s4+$0x0], $0xffff;
	v15 =	vsub.f32 $1.500000000e+00, v15  }
0xa1: {  	v18 =	vmul.f32 v18, v18;
	v48 =	vld.idx.msk [tilespmem:v10+s14+$0x0], $0xffff;
	v37 =	vmul.f32 v37, v37  }
0xa2: {  	v13 =	vadd.f32 v36, v13;
	v51 =	vld.idx.msk [tilespmem:v10+s4+$0x0], $0xffff;
	v39 =	vmul.f32 v14, v15;
	v14 =	vmul.f32 v11, v11  }
0xa3: {  	v59 =	vld.idx.msk [tilespmem:v9+s14+$0x0], $0xffff;
	v15 =	vadd.f32 v18, v37  }
0xa4: {  	(erf) = vrcp.f32 v13;
	v11 =	vld [tilespmem:s31+$0x0];
	v18 =	vmul.f32 v39, v30;
	v13 =	vadd.f32 v12, v14  }
0xa5: {  	s0 =	sor.u32 s0, s29;
	v34 =	vadd.f32 $9.999999970e-07, v34;
	v12 =	vld [tilespmem:s30+$0x80];
	(erf) = vrcp.f32 v15  }
0xa6: {  	v17 =	vsub.f32 v23, v17;
	v15 =	vld [tilespmem:s0+$0x0];
	v18 =	vmul.f32 v18, v39;
	(erf) = vrcp.f32 v13  }
0xa7: {  	v50 =	vmul.f32 v60, v60;
	v37 =	vmul.f32 v61, v61;
	v14 =	vld [tilespmem:s0+$0x80];
	v13 =	vsub.f32 v20, v19  }
0xa8: {  	s31 =	sor.u32 s28, s29;
	v19 =	vsub.f32 v21, v25;
	v20 =	vmul.f32 v17, v17;
	v21 =	vld [tilespmem:s22+$0x8B00];
	v18 =	vsub.f32 $1.500000000e+00, v18  }
0xa9: {  	v17 =	vsub.f32 v16, v22;
	v16 =	vld [tilespmem:s31+$0x80];
	v25 =	vsub.f32 v32, v35;
	v22 =	vmul.f32 v13, v13  }
0xaa: {  	v23 =	vmul.f32 v18, v39;
	v18 =	vmul.f32 v19, v19;
	v19 =	vsub.f32 v29, v28;
	v29 =	vld [tilespmem:s26+$0x9F00]  }
0xab: {  	v57 =	vadd.f32 $9.999999970e-07, v38;
	v13 =	vld [tilespmem:s31+$0x0];
	v25 =	vmul.f32 v25, v25;
	v28 =	vmul.f32 v17, v17  }
0xac: {  	vm0 =	vgt.f32 v24, $0.0e+00;
	v60 =	vld.idx.msk [tilespmem:v11+s14+$0x0], $0xffff;
	v30 =	vmul.f32 v23, v30;
	v19 =	vmul.f32 v19, v19  }
0xad: {  	v63 =	vpop (erf);
	v17 =	vadd.f32 v18, v22;
	v18 =	vadd.f32 v28, v20;
	v20 =	vmul.f32 v34, v34;
	v49 =	vld.idx.msk [tilespmem:v12+s4+$0x0], $0xffff  }
0xae: {  	v42 =	vld.idx.msk [tilespmem:v15+s14+$0x0], $0xffff;
	v40 =	vpop (erf);
	v30 =	vmul.f32 v30, v23;
	v22 =	vadd.f32 v19, v25;
	v19 =	vmul.f32 v33, v33  }
0xaf: {  	v21 =	vadd.f32 $9.999999970e-07, v21;
	v53 =	vld.idx.msk [tilespmem:v14+s4+$0x0], $0xffff;
	v24 =	vmul.f32 v40, v17;
	v28 =	vpop (erf);
	v29 =	vmul.f32 v29, v29  }
0xb0: {  	v44 =	vld.idx.msk [tilespmem:v14+s14+$0x0], $0xffff;
	v30 =	vsub.f32 $1.500000000e+00, v30;
	v28 =	vmul.f32 v28, v22;
	v19 =	vadd.f32 v19, v20  }
0xb1: {  	v54 =	vld.idx.msk [tilespmem:v15+s4+$0x0], $0xffff;
	v20 =	vmul.f32 v27, v26;
	v27 =	vmul.f32 v21, v21;
	v21 =	vadd.f32 $9.999999970e-07, v62  }
0xb2: {  	v25 =	vld.idx.msk [tilespmem:v12+s14+$0x0], $0xffff;
	v62 =	vshra.s32 v24, $0x1;
	v23 =	vmul.f32 v30, v23;
	v26 =	vmul.f32 $5.000000000e-01, v28  }
0xb3: {  	v41 =	vld.idx.msk [tilespmem:v16+s4+$0x0], $0xffff;
	v52 =	vshra.s32 v28, $0x1;
	(erf) = vrcp.f32 v19;
	v19 =	vmul.f32 v21, v21  }
0xb4: {  	v55 =	vld.idx.msk [tilespmem:v13+s14+$0x0], $0xffff;
	v27 =	vadd.f32 v50, v27;
	v20 =	vmul.f32 v23, v20;
	v23 =	vsub.s32 $0x5F3759DF, v52  }
0xb5: {  	v33 =	vsub.f32 v51, v49;
	v30 =	vld.idx.msk [tilespmem:v13+s4+$0x0], $0xffff;
	v29 =	vadd.f32 v29, v19;
	v43 =	vmul.f32 v23, v26  }
0xb6: {  	v58 =	vsub.f32 v42, v44;
	v19 =	vmul.f32 v28, v31;
	v28 =	vld.idx.msk [tilespmem:v16+s14+$0x0], $0xffff;
	(erf) = vrcp.f32 v27  }
0xb7: {  	v32 =	vsub.f32 v54, v53;
	(erf) = vrcp.f32 v29;
	v56 =	vmul.f32 v23, v43  }
0xb8: {  	v44 =	vsub.f32 v60, v59;
	v21 =	vmul.f32 v63, v18;
	v25 =	vsub.f32 v48, v25  }
0xb9: {  	v40 =	vmul.f32 v32, v32;
	v48 =	vmul.f32 v58, v58;
	v29 =	vsub.f32 $1.500000000e+00, v56  }
0xba: {  	v49 =	vsub.s32 $0x5F3759DF, v62;
	v31 =	vmul.f32 v33, v33;
	v25 =	vmul.f32 v25, v25  }
0xbb: {  	v45 =	vld.idx.msk [tilespmem:v11+s4+$0x0], $0xffff;
	v39 =	vmul.f32 v23, v29;
	v29 =	vsub.f32 v30, v41;
	v30 =	vsub.f32 v55, v28  }
0xbc: {  	v27 =	vld [tilespmem:s25+$0x7700];
	v32 =	vmul.f32 $5.000000000e-01, v21;
	v23 =	vadd.f32 v25, v31;
	v25 =	vmul.f32 v57, v57  }
0xbd: {  	v33 =	vld [tilespmem:s24+$0x7700];
	v63 =	vshra.s32 v21, $0x1;
	v28 =	vpop (erf);
	v29 =	vmul.f32 v29, v29;
	v61 =	vmul.f32 v30, v30  }
0xbe: {  	s24 =	simm.s32 $0x7740;
	v46 =	vsub.s32 $0x5F3759DF, v63;
	v20 =	vnsel vm0, $0x0, v20;
	v31 =	vld [tilespmem:s26+$0x7700];
	v28 =	vmul.f32 v28, v23  }
0xbf: {  	s28 =	simm.s32 $0x80;
	v41 =	vmul.f32 $5.000000000e-01, v24;
	v42 =	vadd.f32 v37, v25;
	v25 =	vld [tilespmem:s24+$0x0];
	v47 =	vpop (erf);
	v29 =	vadd.f32 v61, v29  }
0xc0: {  	s29 =	simm.s32 $0x9F80;
	s25 =	simm.s32 $0x4;
	s26 =	simm.s32 $0x100;
	v43 =	vmul.f32 v39, v26;
	v30 =	vld [tilespmem:s3+$0x7700];
	v51 =	vshra.s32 v28, $0x1;
	v36 =	vmul.f32 $5.000000000e-01, v28;
	v50 =	vpop (erf)  }
.LBB2_4:
0xc1: {  	s0 =	sand.u32 $0x40, s28;
	s3 =	sand.u32 $0x3F00, s26;
	v52 =	vld [tilespmem:s29+$0x0];
	v51 =	vsub.s32 $0x5F3759DF, v51;
	v37 =	vmul.f32 v50, v29;
	s23 =	sadd.s32 $0x40, s23;
	v38 =	vmul.f32 v49, v41;
	v34 =	vmovc v15;
	v35 =	vmovc v2  }
0xc2: {  	v48 =	vadd.f32 v48, v40;
	v53 =	vmul.f32 v46, v32;
	v2 =	vmovc v14;
	s1 =	sadd.s32 $0x4F00, s3;
	v15 =	vld [tilespmem:s23+$0x0];
	s3 =	sand.u32 $0x1F80, s28;
	s30 =	sor.u32 $0x30, s0;
	v50 =	vmul.f32 v51, v36  }
0xc3: {  	v55 =	vsub.f32 $0.0e+00, v20;
	v40 =	vmov v16;
	s15 =	sor.u32 $0x20, s0;
	s2 =	sor.u32 s0, s1;
	s18 =	sor.u32 s30, s1;
	v54 =	vld.idx.msk [tilespmem:v9+s4+$0x0], $0xffff;
	v14 =	vmul.f32 v49, v38  }
0xc4: {  	vm0 =	vgt.f32 v22, $0.0e+00;
	s0 =	sor.u32 $0x10, s0;
	s31 =	sor.u32 s3, s15;
	s30 =	sor.u32 s3, s30;
	v56 =	vld [tilespmem:s2+$0x0];
	v16 =	vmul.f32 v51, v50;
	v50 =	vmul.f32 v43, v39  }
0xc5: {  	s25 =	sadd.s32 $0x4, s25;
	s15 =	sor.u32 s15, s1;
	v47 =	vmul.f32 v47, v48;
	v22 =	vmul.f32 v46, v53;
	s3 =	sor.u32 s3, s0;
	v38 =	vld [tilespmem:s18+$0x80];
	v14 =	vsub.f32 $1.500000000e+00, v14  }
0xc6: {  	p0 =	slt.u32 s25, $0x13C;
	v53 =	vmul.f32 v24, v27;
	v24 =	vmovc v37;
	v27 =	vmovc v31;
	v43 =	vld [tilespmem:s30+$0x8B00];
	v16 =	vsub.f32 $1.500000000e+00, v16;
	v50 =	vsub.f32 $1.500000000e+00, v50  }
0xc7: {  	v37 =	vld [tilespmem:s18+$0x0];
	v31 =	vmul.f32 v49, v14;
	v14 =	vsub.f32 $1.500000000e+00, v22  }
0xc8: {  	s0 =	sor.u32 s0, s1;
	v15 =	vadd.f32 $9.999999970e-07, v15;
	v49 =	vld [tilespmem:s31+$0x9F00];
	v22 =	vmul.f32 v51, v16;
	(erf) = vrcp.f32 v42  }
0xc9: {  	v16 =	vmul.f32 v52, v52;
	v42 =	vld [tilespmem:s2+$0x80];
	v51 =	vmul.f32 v31, v41  }
0xca: {  	v52 =	vmul.f32 v15, v15;
	v57 =	vld [tilespmem:s30+$0x9F00];
	v58 =	vmul.f32 v22, v36  }
0xcb: {  	v46 =	vmul.f32 v46, v14;
	v15 =	vld [tilespmem:s15+$0x0];
	v51 =	vmul.f32 v51, v31  }
0xcc: {  	v39 =	vmul.f32 v50, v39;
	v52 =	vadd.f32 v16, v52;
	v14 =	vld [tilespmem:s15+$0x80];
	v16 =	vmul.f32 v58, v22  }
0xcd: {  	v45 =	vsub.f32 v45, v54;
	v54 =	vmul.f32 v46, v32;
	v50 =	vld [tilespmem:s31+$0x8B00];
	v51 =	vsub.f32 $1.500000000e+00, v51  }
0xce: {  	v61 =	vmul.f32 v44, v44;
	v26 =	vmul.f32 v39, v26;
	v58 =	vld [tilespmem:s3+$0x9F00];
	v59 =	vsub.f32 $1.500000000e+00, v16  }
0xcf: {  	v45 =	vmul.f32 v45, v45;
	v16 =	vld [tilespmem:s0+$0x80];
	v31 =	vmul.f32 v51, v31  }
0xd0: {  	v26 =	vmul.f32 v26, v39;
	v51 =	vld [tilespmem:s0+$0x0];
	v59 =	vmul.f32 v59, v22  }
0xd1: {  	v22 =	vadd.f32 v61, v45;
	v45 =	vmul.f32 v54, v46;
	v60 =	vld [tilespmem:s3+$0x8B00];
	v44 =	vpop (erf);
	v41 =	vmul.f32 v31, v41  }
0xd2: {  	v49 =	vmul.f32 v49, v49;
	v61 =	vsub.f32 $1.500000000e+00, v26;
	v54 =	vld.idx.msk [tilespmem:v56+s14+$0x0], $0xffff;
	v50 =	vadd.f32 $9.999999970e-07, v50  }
0xd3: {  	v63 =	vmul.f32 v21, v33;
	v21 =	vmovc v47;
	v44 =	vmul.f32 v44, v22;
	v45 =	vsub.f32 $1.500000000e+00, v45;
	v62 =	vld.idx.msk [tilespmem:v42+s14+$0x0], $0xffff  }
0xd4: {  	v41 =	vmul.f32 v41, v31;
	v33 =	vmul.f32 v50, v50;
	[tilespmem:v4+s17+$0x0] =	vst.idx.add.f32.msk $0xffff, v55;
	v4 =	vmov v10  }
0xd5: {  	vm1 =	vgt.f32 v18, $0.0e+00;
	v18 =	vmovc v48;
	v36 =	vmul.f32 v59, v36;
	v30 =	vmul.f32 v44, v30;
	v47 =	vld.idx.msk [tilespmem:v42+s4+$0x0], $0xffff  }
0xd6: {  	v26 =	vmul.f32 $5.000000000e-01, v44;
	v10 =	vmovc v56;
	v41 =	vsub.f32 $1.500000000e+00, v41;
	v48 =	vld.idx.msk [tilespmem:v56+s4+$0x0], $0xffff;
	v50 =	vadd.f32 $9.999999970e-07, v60  }
0xd7: {  	vm3 =	vgt.f32 v17, $0.0e+00;
	v17 =	vmovc v29;
	v39 =	vmul.f32 v61, v39;
	v56 =	vmul.f32 v58, v58;
	v55 =	vld.idx.msk [tilespmem:v16+s4+$0x0], $0xffff  }
0xd8: {  	v33 =	vadd.f32 v49, v33;
	v31 =	vmul.f32 v41, v31;
	v29 =	vld.idx.msk [tilespmem:v51+s4+$0x0], $0xffff;
	v50 =	vmul.f32 v50, v50  }
0xd9: {  	v36 =	vmul.f32 v36, v59;
	v44 =	vshra.s32 v44, $0x1;
	v45 =	vmul.f32 v45, v46;
	v41 =	vld.idx.msk [tilespmem:v51+s14+$0x0], $0xffff  }
0xda: {  	v44 =	vsub.s32 $0x5F3759DF, v44;
	v31 =	vmul.f32 v31, v53;
	v46 =	vadd.f32 v56, v50;
	v49 =	vld.idx.msk [tilespmem:v15+s14+$0x0], $0xffff  }
0xdb: {  	vm2 =	vgt.f32 v23, $0.0e+00;
	v23 =	vmul.f32 v44, v26;
	v32 =	vmul.f32 v45, v32;
	v50 =	vld.idx.msk [tilespmem:v14+s4+$0x0], $0xffff  }
0xdc: {  	v28 =	vmul.f32 v28, v25;
	v36 =	vsub.f32 $1.500000000e+00, v36;
	v56 =	vnsel vm3, $0x0, v31;
	v53 =	vld.idx.msk [tilespmem:v14+s14+$0x0], $0xffff  }
0xdd: {  	v23 =	vmul.f32 v44, v23;
	v25 =	vsub.f32 v48, v47;
	v31 =	vmul.f32 v32, v45;
	v47 =	vld.idx.msk [tilespmem:v15+s4+$0x0], $0xffff  }
0xde: {  	v36 =	vmul.f32 v36, v59;
	v48 =	vsub.f32 $0.0e+00, v56;
	v32 =	vld.idx.msk [tilespmem:v16+s14+$0x0], $0xffff;
	(erf) = vrcp.f32 v52  }
0xdf: {  	v52 =	vsub.f32 v54, v62;
	(erf) = vrcp.f32 v33;
	[tilespmem:v7+s17+$0x0] =	vst.idx.add.f32.msk $0xffff, v20;
	v20 =	vsub.f32 $1.500000000e+00, v31;
	v7 =	vmovc v12  }
0xe0: {  	v43 =	vadd.f32 $9.999999970e-07, v43;
	v25 =	vmul.f32 v25, v25;
	v12 =	vmovc v42;
	v31 =	vld [tilespmem:s3+$0x7700];
	(erf) = vrcp.f32 v46  }
0xe1: {  	v42 =	vmul.f32 v52, v52;
	v46 =	vsub.f32 $1.500000000e+00, v23;
	[tilespmem:v8+s17+$0x0] =	vst.idx.add.f32.msk $0xffff, v48;
	v20 =	vmul.f32 v20, v45  }
0xe2: {  	s24 =	sadd.s32 $0x40, s24;
	v52 =	vmul.f32 v39, v19;
	v45 =	vsub.f32 v49, v53;
	v48 =	vmul.f32 v57, v57;
	v8 =	vmovc v13;
	v33 =	vld [tilespmem:s22+$0x7700];
	s22 =	smov.u32 s31  }
0xe3: {  	v28 =	vmul.f32 v36, v28;
	v39 =	vmul.f32 v43, v43;
	v13 =	vmovc v51;
	v23 =	vadd.f32 v42, v25;
	v25 =	vld [tilespmem:s24+$0x0]  }
0xe4: {  	v19 =	vmovc v30;
	v36 =	vsub.f32 v47, v50;
	v51 =	vnsel vm0, $0x0, v52;
	v43 =	vmul.f32 v20, v63;
	v49 =	vld.idx.msk [tilespmem:v38+s14+$0x0], $0xffff  }
0xe5: {  	v42 =	vadd.f32 v48, v39;
	v39 =	vmul.f32 v44, v46;
	v44 =	vsub.f32 $0.0e+00, v51;
	v52 =	vld.idx.msk [tilespmem:v37+s14+$0x0], $0xffff  }
0xe6: {  	v29 =	vsub.f32 v29, v55;
	v20 =	vnsel vm2, $0x0, v28;
	v46 =	vnsel vm1, $0x0, v43;
	[tilespmem:v6+s17+$0x0] =	vst.idx.add.f32.msk $0xffff, v56;
	v6 =	vmovc v40  }
0xe7: {  	v32 =	vsub.f32 v41, v32;
	v43 =	vmul.f32 v39, v26;
	v40 =	vmul.f32 v36, v36;
	v30 =	vld [tilespmem:s30+$0x7700];
	v28 =	vpop (erf)  }
.Ltmp1:
0xe8: {  	v29 =	vmul.f32 v29, v29;
	v53 =	vsub.f32 $0.0e+00, v46;
	v28 =	vmul.f32 v28, v23;
	v47 =	vpop (erf);
	[tilespmem:v5+s17+$0x0] =	vst.idx.add.f32.msk $0xffff, v44;
	(pc) =	sbr.rel @p0 .LBB2_4-.Ltmp1, $4  }
0xe9: {  	v54 =	vshra.s32 v24, $0x1;
	v48 =	vmul.f32 v45, v45;
	v44 =	vmul.f32 v32, v32;
	v50 =	vpop (erf);
	[tilespmem:v1+s17+$0x0] =	vst.idx.add.f32.msk $0xffff, v51  }
0xea: {  	v41 =	vmul.f32 $5.000000000e-01, v24;
	v1 =	vmovc v9;
	v9 =	vmovc v38;
	v51 =	vshra.s32 v28, $0x1;
	v36 =	vmul.f32 $5.000000000e-01, v28;
	[tilespmem:v3+s17+$0x0] =	vst.idx.add.f32.msk $0xffff, v53  }
0xeb: {  	v32 =	vmul.f32 $5.000000000e-01, v21;
	v5 =	vmovc v11;
	v38 =	vshra.s32 v21, $0x1;
	v29 =	vadd.f32 v44, v29;
	[tilespmem:v35+s17+$0x0] =	vst.idx.add.f32.msk $0xffff, v46  }
0xec: {  	s26 =	sadd.s32 $0x80, s26;
	s29 =	sadd.s32 $0x40, s29;
	s28 =	sadd.s32 $0x40, s28;
	v11 =	vmovc v37;
	v44 =	vsub.f32 v52, v49;
	v49 =	vsub.s32 $0x5F3759DF, v54;
	v3 =	vmovc v34;
	v46 =	vsub.s32 $0x5F3759DF, v38;
	v45 =	vld.idx.msk [tilespmem:v37+s4+$0x0], $0xffff  }
0xed: {  	v35 =	vsub.s32 $0x5F3759DF, v51  }
0xee: {  	v37 =	vmul.f32 v35, v36;
	_ =	sdelay $0x1  }
0xef: {  	v34 =	vmul.f32 v49, v41;
	v37 =	vmul.f32 v35, v37;
	_ =	sdelay $0x1  }
0xf0: {  	v38 =	vmul.f32 v50, v29;
	v34 =	vmul.f32 v49, v34;
	v37 =	vsub.f32 $1.500000000e+00, v37  }
0xf1: {  	v59 =	vmul.f32 v46, v32;
	v60 =	vld.idx.msk [tilespmem:v9+s4+$0x0], $0xffff;
	v43 =	vmul.f32 v43, v39  }
0xf2: {  	(erf) = vrcp.f32 v42;
	v34 =	vsub.f32 $1.500000000e+00, v34;
	v35 =	vmul.f32 v35, v37  }
0xf3: {  	v24 =	vmul.f32 v24, v27;
	v21 =	vmul.f32 v21, v33;
	v43 =	vsub.f32 $1.500000000e+00, v43  }
0xf4: {  	v61 =	vmul.f32 v49, v34;
	v34 =	vadd.f32 v48, v40;
	v48 =	vmul.f32 v35, v36  }
0xf5: {  	v25 =	vmul.f32 v28, v25;
	v52 =	vmul.f32 v44, v44  }
0xf6: {  	v39 =	vmul.f32 v43, v39;
	v45 =	vsub.f32 v45, v60;
	v50 =	vmul.f32 v48, v35  }
0xf7: {  	v62 =	vmul.f32 v46, v59;
	v58 =	vshra.s32 v38, $0x1;
	v63 =	vmul.f32 v61, v41  }
0xf8: {  	v26 =	vmul.f32 v39, v26;
	v53 =	vmul.f32 v45, v45;
	v27 =	vsub.f32 $1.500000000e+00, v50  }
0xf9: {  	v37 =	vsub.f32 $1.500000000e+00, v62;
	v45 =	vsub.s32 $0x5F3759DF, v58;
	v40 =	vmul.f32 v63, v61  }
0xfa: {  	v26 =	vmul.f32 v26, v39;
	v27 =	vmul.f32 v27, v35;
	v35 =	vadd.f32 v52, v53  }
0xfb: {  	v42 =	vmul.f32 v47, v34;
	v37 =	vmul.f32 v46, v37;
	v55 =	vpop (erf);
	v40 =	vsub.f32 $1.500000000e+00, v40  }
0xfc: {  	v46 =	vmul.f32 $5.000000000e-01, v38;
	v26 =	vsub.f32 $1.500000000e+00, v26;
	v43 =	vmul.f32 v55, v35  }
0xfd: {  	v63 =	vshra.s32 v42, $0x1;
	v51 =	vmul.f32 $5.000000000e-01, v42;
	v40 =	vmul.f32 v40, v61  }
0xfe: {  	v61 =	vmul.f32 v45, v46;
	v47 =	vmul.f32 $5.000000000e-01, v43;
	v59 =	vshra.s32 v43, $0x1  }
0xff: {  	v54 =	vmul.f32 v37, v32;
	v26 =	vmul.f32 v26, v39;
	v60 =	vsub.s32 $0x5F3759DF, v59  }
0x100: {  	v50 =	vsub.s32 $0x5F3759DF, v63;
	v48 =	vmul.f32 v45, v61;
	v62 =	vmul.f32 v60, v47  }
0x101: {  	vm1 =	vgt.f32 v22, $0.0e+00;
	v57 =	vmul.f32 v54, v37;
	v53 =	vmul.f32 v50, v51  }
0x102: {  	v19 =	vmul.f32 v26, v19;
	v48 =	vsub.f32 $1.500000000e+00, v48;
	v49 =	vmul.f32 v60, v62  }
0x103: {  	v44 =	vsub.f32 $1.500000000e+00, v57;
	v56 =	vmul.f32 v40, v41;
	v39 =	vmul.f32 v50, v53  }
0x104: {  	v54 =	vmul.f32 v27, v36;
	v45 =	vmul.f32 v45, v48;
	v55 =	vsub.f32 $1.500000000e+00, v49  }
0x105: {  	v37 =	vmul.f32 v44, v37;
	v41 =	vmul.f32 v56, v40;
	v39 =	vsub.f32 $1.500000000e+00, v39  }
0x106: {  	vm0 =	vgt.f32 v18, $0.0e+00;
	v57 =	vmul.f32 v45, v46;
	v33 =	vmul.f32 v60, v55  }
0x107: {  	vm2 =	vgt.f32 v17, $0.0e+00;
	v36 =	vmul.f32 v54, v27;
	v39 =	vmul.f32 v50, v39  }
0x108: {  	v41 =	vsub.f32 $1.500000000e+00, v41;
	v60 =	vmul.f32 v57, v45;
	v59 =	vmul.f32 v33, v47  }
0x109: {  	v19 =	vnsel vm1, $0x0, v19;
	v58 =	vmul.f32 v37, v32;
	v63 =	vmul.f32 v39, v51  }
0x10a: {  	v40 =	vmul.f32 v41, v40;
	v18 =	vsub.f32 $1.500000000e+00, v60;
	v62 =	vmul.f32 v59, v33  }
0x10b: {  	v22 =	vmul.f32 v58, v37;
	v36 =	vsub.f32 $1.500000000e+00, v36;
	v32 =	vmul.f32 v63, v39  }
0x10c: {  	v61 =	vmul.f32 v40, v24;
	v18 =	vmul.f32 v18, v45;
	v24 =	vsub.f32 $1.500000000e+00, v62  }
0x10d: {  	v22 =	vsub.f32 $1.500000000e+00, v22;
	v40 =	vmul.f32 v36, v27;
	v28 =	vsub.f32 $1.500000000e+00, v32  }
0x10e: {  	v52 =	vsub.f32 $0.0e+00, v19;
	v41 =	vmul.f32 v18, v46;
	v24 =	vmul.f32 v24, v33  }
0x10f: {  	v56 =	vsub.f32 $0.0e+00, v20;
	v22 =	vmul.f32 v22, v37;
	v28 =	vmul.f32 v28, v39  }
0x110: {  	vm3 =	vgt.f32 v23, $0.0e+00;
	[tilespmem:v5+s17+$0x0] =	vst.idx.add.f32.msk $0xffff, v52;
	v27 =	vmul.f32 v41, v18;
	v44 =	vmul.f32 v24, v47  }
0x111: {  	v54 =	vmul.f32 v38, v31;
	[tilespmem:v4+s17+$0x0] =	vst.idx.add.f32.msk $0xffff, v56;
	v17 =	vnsel vm2, $0x0, v61;
	v51 =	vmul.f32 v28, v51  }
0x112: {  	v48 =	vld [tilespmem:s22+$0x7700];
	v47 =	vmul.f32 v22, v21;
	v50 =	vsub.f32 $1.500000000e+00, v27;
	v49 =	vmul.f32 v44, v24  }
0x113: {  	[tilespmem:v1+s17+$0x0] =	vst.idx.add.f32.msk $0xffff, v19;
	v45 =	vsub.f32 $0.0e+00, v17;
	v46 =	vmul.f32 v40, v25;
	v57 =	vmul.f32 v51, v28  }
0x114: {  	[tilespmem:v7+s17+$0x0] =	vst.idx.add.f32.msk $0xffff, v20;
	v53 =	vnsel vm0, $0x0, v47;
	v56 =	vmul.f32 v50, v18;
	v55 =	vsub.f32 $1.500000000e+00, v49  }
0x115: {  	v58 =	vmul.f32 v43, v30;
	[tilespmem:v8+s17+$0x0] =	vst.idx.add.f32.msk $0xffff, v45;
	v7 =	vnsel vm3, $0x0, v46;
	v59 =	vsub.f32 $0.0e+00, v53  }
0x116: {  	[tilespmem:v6+s17+$0x0] =	vst.idx.add.f32.msk $0xffff, v17;
	v61 =	vsub.f32 $1.500000000e+00, v57;
	v60 =	vmul.f32 v56, v54;
	v1 =	vmul.f32 v55, v24  }
0x117: {  	v62 =	vmul.f32 v42, v48;
	vm0 =	vgt.f32 v29, $0.0e+00;
	[tilespmem:v3+s17+$0x0] =	vst.idx.add.f32.msk $0xffff, v59;
	v3 =	vsub.f32 $0.0e+00, v7  }
0x118: {  	v63 =	vmul.f32 v61, v28;
	[tilespmem:v2+s17+$0x0] =	vst.idx.add.f32.msk $0xffff, v53;
	v2 =	vnsel vm0, $0x0, v60;
	v1 =	vmul.f32 v1, v58  }
0x119: {  	vm0 =	vgt.f32 v35, $0.0e+00;
	[tilespmem:v10+s17+$0x0] =	vst.idx.add.f32.msk $0xffff, v3;
	v3 =	vsub.f32 $0.0e+00, v2  }
0x11a: {  	v4 =	vmul.f32 v63, v62;
	[tilespmem:v12+s17+$0x0] =	vst.idx.add.f32.msk $0xffff, v7;
	v1 =	vnsel vm0, $0x0, v1  }
0x11b: {  	[tilespmem:v13+s17+$0x0] =	vst.idx.add.f32.msk $0xffff, v3;
	vm0 =	vgt.f32 v34, $0.0e+00;
	v3 =	vsub.f32 $0.0e+00, v1  }
0x11c: {  	[tilespmem:v16+s17+$0x0] =	vst.idx.add.f32.msk $0xffff, v2;
	v2 =	vnsel vm0, $0x0, v4  }
0x11d: {  	v4 =	vsub.f32 $0.0e+00, v2;
	[tilespmem:v11+s17+$0x0] =	vst.idx.add.f32.msk $0xffff, v3  }
0x11e: {  	s21 =	sadd.s32 $0x1, s21;
	[tilespmem:v9+s17+$0x0] =	vst.idx.add.f32.msk $0xffff, v1  }
0x11f: {  	p0 =	sne.s32 s21, s13;
	[tilespmem:v15+s17+$0x0] =	vst.idx.add.f32.msk $0xffff, v4  }
.Ltmp2:
0x120: {  	s0 =	simm.s32 $0x80;
	[tilespmem:v14+s17+$0x0] =	vst.idx.add.f32.msk $0xffff, v2;
	(pc) =	sbr.rel @p0 .LBB2_1-.Ltmp2, $4  }
0x121: {  	[hbm4b:s12+s0] =	stream.strided.scatter [tilespmem:s17], [sflag:$0x2], $0x2800, s19, s0, $0x38;
	[tilespmem:$0xDB00] =	vst v63  }
0x122: {  	_ =	swait.ge [sflag:s20], $0x2800  }
0x123: {  	[sflag:s20] =	ssyncset.done $0x0  }
0x124: {  	[sflag:s20] =	ssyncadd.s32 $0xFFFFD800  }
0x125: {  	_ =	sfence.sel $0x180000  }
0x126: {  	[bflag:$0x0] =	sbarrier.arrive $0xFFFF  }
0x127: {  	_ =	strace $0x90000047  }
0x128: {  	s0 =	stileid.u32;
	[bflag:$0x2] =	sbarrier.arrive $0xFFFF  }
0x129: {  	p0 =	sne.s32 s0, $0x0;
	s0 =	rddreg [dreg:$0x7]  }
0x12a: {  	s0 =	sadd.s32 @!p0 $0x100000, s0  }
0x12b: {  	[sflag:s0] =	ssyncadd.tile.s32 @!p0 $0x1;
	_ =	shalt  }
.Lfunc_end2:
_tile_overlayer_lowered:
.L_overlay_start_2:
0x12c: {  	(tag) =	ssettag $0x2  }
0x12d: {  	s0 =	rddreg [dreg:$0x0];
	s2 =	stileid.u32  }
0x12e: {  	s1 =	rddreg [dreg:$0x1];
	p0 =	sne.s32 s2, $0x0  }
0x12f: {  	s3 =	rddreg [dreg:$0x2];
	[bflag:$0x3] =	sbarrier.arrive $0xFFFF;
	s2 =	simm.s32 @!p0 $0x1C02  }
0x130: {  	[timem:s3], [sflag:s2] =	dma.local @!p0 [hbm:s0], s1  }
0x131: {  	s0 =	simm.s32 @!p0 $0x2  }
0x132: {  	_ =	swait.ge @!p0 [sflag:s0], s1  }
0x133: {  	s1 =	ssub.s32 @!p0 $0x0, s1;
	[sflag:s0] =	ssyncset.done @!p0 $0x0  }
0x134: {  	[sflag:s0] =	ssyncadd.s32 @!p0 s1  }
0x135: {  	[bflag:$0x3] =	sbarrier.arrive $0xFFFF  }
0x136: {  	_ =	shalt  }

</sc_bundles>
